<compile_context>
chip_gen: v7x
topology: tpu7x:2x2x1
jax: 0.10.2.dev20260603
libtpu: 0.0.44.dev20260713+nightly
codegen_flags: <defaults>
</compile_context>

<pallas_src>
import functools
import jax
import jax.numpy as jnp
from jax import lax
from jax.experimental import pallas as pl
from jax.experimental.pallas import tpu as pltpu
from jax.experimental.pallas import tpu_sc as plsc

N_NODES = 10000
FEA = 128
NPAD = 10240
NC, NS = 2, 16
NW = NC * NS
EB = 128
E_EDGES = 320000
ECHUNKS = 80
EPAD = NW * ECHUNKS * EB
NROWS = EPAD // EB
K0 = 80
K1 = NROWS // NS - K0
ROWS_PT = NPAD // NS
SEL = 5000
SELPAD = 5120
SPW = SELPAD // NW
SB = 80
SEG = 80
CSEG = 128

_sc_mesh = plsc.VectorSubcoreMesh(core_axis_name="c", subcore_axis_name="s")



@functools.partial(
    pl.kernel,
    out_type=jax.ShapeDtypeStruct((NC * NPAD,), jnp.float32),
    mesh=_sc_mesh,
    scratch_types=[
        pltpu.VMEM((ECHUNKS, EB), jnp.int32),
        pltpu.VMEM((EB,), jnp.float32),
        pltpu.VMEM_SHARED((NPAD,), jnp.float32),
    ],
)
def _deg_kernel(dst_hbm, zeros1_hbm, out_hbm, dst_v, ones_v, acc):
    c = lax.axis_index("c")
    s = lax.axis_index("s")
    wid = s * NC + c

    def fill(j, carry):
        ones_v[pl.ds(j * 16, 16)] = jnp.ones((16,), jnp.float32)
        return carry
    lax.fori_loop(0, EB // 16, fill, 0)

    pltpu.sync_copy(dst_hbm.at[wid], dst_v)
    pltpu.sync_copy(zeros1_hbm.at[pl.ds(s * ROWS_PT, ROWS_PT)],
                    acc.at[pl.ds(s * ROWS_PT, ROWS_PT)])
    plsc.subcore_barrier()

    def body(i, carry):
        pltpu.sync_copy(ones_v, acc.at[dst_v.at[i]], add=True)
        return carry
    lax.fori_loop(0, ECHUNKS, body, 0)
    plsc.subcore_barrier()

    pltpu.sync_copy(acc.at[pl.ds(s * ROWS_PT, ROWS_PT)],
                    out_hbm.at[pl.ds(c * NPAD + s * ROWS_PT, ROWS_PT)])



@functools.partial(
    pl.kernel,
    out_type=jax.ShapeDtypeStruct((NC * NPAD, FEA), jnp.float32),
    mesh=_sc_mesh,
    scratch_types=[
        pltpu.VMEM((EB,), jnp.int32),
        pltpu.VMEM((EB,), jnp.int32),
        pltpu.VMEM((EB,), jnp.int32),
        pltpu.VMEM((EB,), jnp.int32),
        pltpu.VMEM((EB, FEA), jnp.float32),
        pltpu.VMEM((EB, FEA), jnp.float32),
        pltpu.SemaphoreType.DMA,
        pltpu.SemaphoreType.DMA,
        pltpu.VMEM_SHARED((NPAD, FEA), jnp.float32),
    ],
)
def _gs_kernel(src_hbm, dst_hbm, hs_hbm, zeros2_hbm, out_hbm,
               src_a, dst_a, src_b, dst_b, rows_a, rows_b,
               sem_a, sem_b, acc):
    c = lax.axis_index("c")
    s = lax.axis_index("s")
    wid = s * NC + c
    base = wid * (ECHUNKS * EB)

    pltpu.sync_copy(zeros2_hbm.at[pl.ds(s * ROWS_PT, ROWS_PT)],
                    acc.at[pl.ds(s * ROWS_PT, ROWS_PT)])
    plsc.subcore_barrier()

    def body(i, carry):
        off = base + i * EB
        pltpu.sync_copy(src_hbm.at[pl.ds(off, EB)], src_a)
        pltpu.sync_copy(dst_hbm.at[pl.ds(off, EB)], dst_a)
        pltpu.async_copy(hs_hbm.at[src_a], rows_a, sem_a).wait()
        pltpu.sync_copy(rows_a, acc.at[dst_a], add=True)
        return carry
    lax.fori_loop(0, ECHUNKS, body, 0)
    plsc.subcore_barrier()

    pltpu.sync_copy(acc.at[pl.ds(s * ROWS_PT, ROWS_PT)],
                    out_hbm.at[pl.ds(c * NPAD + s * ROWS_PT, ROWS_PT)])



@functools.partial(
    pl.kernel,
    out_type=(jax.ShapeDtypeStruct((NC * SEG, FEA), jnp.float32),
              jax.ShapeDtypeStruct((NC * CSEG,), jnp.float32)),
    mesh=_sc_mesh,
    scratch_types=[
        pltpu.VMEM((SB,), jnp.int32),
        pltpu.VMEM((SB,), jnp.int32),
        pltpu.VMEM((SB, FEA), jnp.float32),
        pltpu.VMEM((SB,), jnp.float32),
        pltpu.SemaphoreType.DMA,
        pltpu.VMEM_SHARED((SEG, FEA), jnp.float32),
        pltpu.VMEM_SHARED((CSEG,), jnp.float32),
    ],
)
def _pool_kernel(h_hbm, sel_hbm, batch_hbm, zeros2_hbm, zeros1_hbm,
                 sum_hbm, cnt_hbm,
                 sel_v, bsel_v, rows_v, ones_v, sem, acc_s, acc_c):
    c = lax.axis_index("c")
    s = lax.axis_index("s")
    wid = s * NC + c

    def fill(j, carry):
        ones_v[pl.ds(j * 16, 16)] = jnp.ones((16,), jnp.float32)
        return carry
    lax.fori_loop(0, SB // 16, fill, 0)

    @pl.when(s < SEG // 8)
    def _zs():
        pltpu.sync_copy(zeros2_hbm.at[pl.ds(s * 8, 8)],
                        acc_s.at[pl.ds(s * 8, 8)])

    @pl.when(s == 0)
    def _zc():
        pltpu.sync_copy(zeros1_hbm.at[pl.ds(0, CSEG)], acc_c)
    plsc.subcore_barrier()

    base = wid * SPW

    def body(i, carry):
        off = base + i * SB
        pltpu.sync_copy(sel_hbm.at[pl.ds(off, SB)], sel_v)
        pltpu.async_copy(batch_hbm.at[sel_v], bsel_v, sem).wait()
        pltpu.async_copy(h_hbm.at[sel_v], rows_v, sem).wait()
        pltpu.sync_copy(rows_v, acc_s.at[bsel_v], add=True)
        pltpu.sync_copy(ones_v, acc_c.at[bsel_v], add=True)
        return carry
    lax.fori_loop(0, SPW // SB, body, 0)
    plsc.subcore_barrier()

    @pl.when(s < SEG // 8)
    def _ws():
        pltpu.sync_copy(acc_s.at[pl.ds(s * 8, 8)],
                        sum_hbm.at[pl.ds(c * SEG + s * 8, 8)])

    @pl.when(s == 0)
    def _wc():
        pltpu.sync_copy(acc_c, cnt_hbm.at[pl.ds(c * CSEG, CSEG)])



BR = 1024
GRID = NPAD // BR


def _mm1_body(x_ref, w_ref, d0_ref, d1_ref, hs_ref, dinv_ref):
    dinv = lax.rsqrt(1.0 + d0_ref[...] + d1_ref[...])
    hs_ref[...] = jnp.dot(x_ref[...], w_ref[...],
                          preferred_element_type=jnp.float32) * dinv
    dinv_ref[...] = dinv


def _mid_body(agg_ref, hs_ref, dinv_ref, b_ref, w_ref, out_ref):
    dinv = dinv_ref[...]
    h = jnp.maximum(
        (agg_ref[0] + agg_ref[1] + hs_ref[...]) * dinv + b_ref[...], 0.0)
    out_ref[...] = jnp.dot(h, w_ref[...],
                           preferred_element_type=jnp.float32) * dinv


def _post_body(agg_ref, hs_ref, dinv_ref, b_ref, out_ref):
    out_ref[...] = jnp.maximum(
        (agg_ref[0] + agg_ref[1] + hs_ref[...]) * dinv_ref[...] + b_ref[...],
        0.0)


def _mlp_body(sum_ref, cnt_ref, l1w_ref, l1b_ref, l2w_ref, l2b_ref, out_ref):
    ssum = sum_ref[0] + sum_ref[1]
    cnt = cnt_ref[0] + cnt_ref[1]
    mean = ssum[:64] / jnp.clip(cnt[:64], 1.0, None)[:, None]
    h = jnp.maximum(
        jnp.dot(mean, l1w_ref[...], preferred_element_type=jnp.float32)
        + l1b_ref[...], 0.0)
    out_ref[...] = jnp.dot(h, l2w_ref[...],
                           preferred_element_type=jnp.float32) + l2b_ref[...]


def _mm1(x_p, w0, d0, d1):
    return pl.pallas_call(
        _mm1_body,
        grid=(GRID,),
        in_specs=[pl.BlockSpec((BR, FEA), lambda i: (i, 0)),
                  pl.BlockSpec((FEA, FEA), lambda i: (0, 0)),
                  pl.BlockSpec((BR, 1), lambda i: (i, 0)),
                  pl.BlockSpec((BR, 1), lambda i: (i, 0))],
        out_specs=[pl.BlockSpec((BR, FEA), lambda i: (i, 0)),
                   pl.BlockSpec((BR, 1), lambda i: (i, 0))],
        out_shape=[jax.ShapeDtypeStruct((NPAD, FEA), jnp.float32),
                   jax.ShapeDtypeStruct((NPAD, 1), jnp.float32)],
    )(x_p, w0, d0, d1)


def _mid(agg, hs, dinv, b, w_next):
    return pl.pallas_call(
        _mid_body,
        grid=(GRID,),
        in_specs=[pl.BlockSpec((NC, BR, FEA), lambda i: (0, i, 0)),
                  pl.BlockSpec((BR, FEA), lambda i: (i, 0)),
                  pl.BlockSpec((BR, 1), lambda i: (i, 0)),
                  pl.BlockSpec((1, FEA), lambda i: (0, 0)),
                  pl.BlockSpec((FEA, FEA), lambda i: (0, 0))],
        out_specs=pl.BlockSpec((BR, FEA), lambda i: (i, 0)),
        out_shape=jax.ShapeDtypeStruct((NPAD, FEA), jnp.float32),
    )(agg, hs, dinv, b, w_next)


def _post(agg, hs, dinv, b):
    return pl.pallas_call(
        _post_body,
        grid=(GRID,),
        in_specs=[pl.BlockSpec((NC, BR, FEA), lambda i: (0, i, 0)),
                  pl.BlockSpec((BR, FEA), lambda i: (i, 0)),
                  pl.BlockSpec((BR, 1), lambda i: (i, 0)),
                  pl.BlockSpec((1, FEA), lambda i: (0, 0))],
        out_specs=pl.BlockSpec((BR, FEA), lambda i: (i, 0)),
        out_shape=jax.ShapeDtypeStruct((NPAD, FEA), jnp.float32),
    )(agg, hs, dinv, b)


def _mlp(sums, cnts, l1w, l1b, l2w, l2b):
    return pl.pallas_call(
        _mlp_body,
        in_specs=[pl.BlockSpec((NC, SEG, FEA), lambda: (0, 0, 0)),
                  pl.BlockSpec((NC, CSEG), lambda: (0, 0)),
                  pl.BlockSpec((FEA, 256), lambda: (0, 0)),
                  pl.BlockSpec((1, 256), lambda: (0, 0)),
                  pl.BlockSpec((256, 1), lambda: (0, 0)),
                  pl.BlockSpec((1, 1), lambda: (0, 0))],
        out_specs=pl.BlockSpec((64, 1), lambda: (0, 0)),
        out_shape=jax.ShapeDtypeStruct((64, 1), jnp.float32),
    )(sums, cnts, l1w, l1b, l2w, l2b)


def kernel(x, node_selection, edge_index, batch,
           W0, b0, W1, b1, W2, b2, lin1_w, lin1_b, lin2_w, lin2_b):
    f32 = jnp.float32
    i32 = jnp.int32
    epad = jnp.full((EPAD - E_EDGES,), N_NODES, i32)
    src_p = jnp.concatenate([edge_index[0].astype(i32), epad])
    dst_p = jnp.concatenate([edge_index[1].astype(i32), epad])
    dst_p3 = dst_p.reshape(NW, ECHUNKS, EB)
    x_p = jnp.zeros((NPAD, FEA), f32).at[:N_NODES].set(x)
    batch_p = jnp.concatenate(
        [batch.astype(i32), jnp.full((NPAD - N_NODES,), 64, i32)])
    sel_p = jnp.concatenate(
        [node_selection.astype(i32), jnp.full((SELPAD - SEL,), N_NODES, i32)])
    z1 = jnp.zeros((NPAD,), f32)
    z2 = jnp.zeros((NPAD, FEA), f32)

    deg = _deg_kernel(dst_p3, z1)
    d0 = deg[:NPAD, None]
    d1 = deg[NPAD:, None]
    hs1, dinv = _mm1(x_p, W0, d0, d1)
    agg1 = _gs_kernel(src_p, dst_p, hs1, z2).reshape(NC, NPAD, FEA)
    hs2 = _mid(agg1, hs1, dinv, b0[None], W1)
    agg2 = _gs_kernel(src_p, dst_p, hs2, z2).reshape(NC, NPAD, FEA)
    hs3 = _mid(agg2, hs2, dinv, b1[None], W2)
    agg3 = _gs_kernel(src_p, dst_p, hs3, z2).reshape(NC, NPAD, FEA)
    h3 = _post(agg3, hs3, dinv, b2[None])
    sums, cnts = _pool_kernel(h3, sel_p, batch_p, z2, z1)
    out = _mlp(sums.reshape(NC, SEG, FEA), cnts.reshape(NC, CSEG),
               lin1_w, lin1_b[None], lin2_w, lin2_b[None])
    return out

# --- scband reference (transcript-rebuilt; emitter-appended) ---
"""Pipeline reference for scband-critic-59777354826141 (READ-ONLY COPY).

The authoritative reference and input builder live on the scoring server;
editing this copy changes nothing except your own understanding.
"""

import jax, jax.numpy as jnp
import numpy as np

N_NODES = 10000
N_EDGES = 320000
FEA_DIM = 128
CRITIC_H_DIM = 256
LABEL_DIM = 1
N_LAYER = 3


def gcn_conv(x, edge_index, W, b):
    # PyG GCNConv: add self-loops, symmetric normalization, then x' = D^-1/2 A D^-1/2 (x W) + b
    N = x.shape[0]
    src = edge_index[0]
    dst = edge_index[1]
    loop = jnp.arange(N, dtype=edge_index.dtype)
    src = jnp.concatenate([src, loop])
    dst = jnp.concatenate([dst, loop])
    deg = jnp.zeros((N,), dtype=x.dtype).at[dst].add(1.0)
    dinv = 1.0 / jnp.sqrt(deg)
    norm = dinv[src] * dinv[dst]
    h = x @ W
    msg = h[src] * norm[:, None]
    out = jnp.zeros((N, h.shape[1]), dtype=x.dtype).at[dst].add(msg)
    return out + b


def setup_inputs(seed: int = 0) -> dict:
    key = jax.random.key(seed)
    ks = jax.random.split(key, 16)
    x = jax.random.normal(ks[0], (N_NODES, FEA_DIM), dtype=jnp.float32)
    node_selection = jax.random.randint(ks[1], (5000,), 0, N_NODES, dtype=jnp.int64 if jax.config.jax_enable_x64 else jnp.int32)
    edge_index = jax.random.randint(ks[2], (2, N_EDGES), 0, N_NODES, dtype=jnp.int64 if jax.config.jax_enable_x64 else jnp.int32)
    batch = jnp.sort(jax.random.randint(ks[3], (N_NODES,), 0, 64, dtype=jnp.int64 if jax.config.jax_enable_x64 else jnp.int32))
    batch = batch.at[-1].set(63)  # ensure deterministic number of graphs (64)
    # GCN layer weights (glorot-like scale)
    s = 1.0 / np.sqrt(FEA_DIM)
    W0 = jax.random.uniform(ks[4], (FEA_DIM, FEA_DIM), jnp.float32, -s, s)
    b0 = jnp.zeros((FEA_DIM,), jnp.float32)
    W1 = jax.random.uniform(ks[5], (FEA_DIM, FEA_DIM), jnp.float32, -s, s)
    b1 = jnp.zeros((FEA_DIM,), jnp.float32)
    W2 = jax.random.uniform(ks[6], (FEA_DIM, FEA_DIM), jnp.float32, -s, s)
    b2 = jnp.zeros((FEA_DIM,), jnp.float32)
    lin1_w = jax.random.uniform(ks[7], (FEA_DIM, CRITIC_H_DIM), jnp.float32, -s, s)
    lin1_b = jnp.zeros((CRITIC_H_DIM,), jnp.float32)
    s2 = 1.0 / np.sqrt(CRITIC_H_DIM)
    lin2_w = jax.random.uniform(ks[8], (CRITIC_H_DIM, LABEL_DIM), jnp.float32, -s2, s2)
    lin2_b = jnp.zeros((LABEL_DIM,), jnp.float32)
    return {
        'x': x, 'node_selection': node_selection, 'edge_index': edge_index, 'batch': batch,
        'W0': W0, 'b0': b0, 'W1': W1, 'b1': b1, 'W2': W2, 'b2': b2,
        'lin1_w': lin1_w, 'lin1_b': lin1_b, 'lin2_w': lin2_w, 'lin2_b': lin2_b,
    }


def reference(x, node_selection, edge_index, batch, W0, b0, W1, b1, W2, b2, lin1_w, lin1_b, lin2_w, lin2_b):
    # eval mode: dropout is identity
    h = x
    for (W, b) in ((W0, b0), (W1, b1), (W2, b2)):
        h = gcn_conv(h, edge_index, W, b)
        h = jax.nn.relu(h)
    x_selected = h[node_selection]
    batch_selected = batch[node_selection]
    num_graphs = 64
    summed = jax.ops.segment_sum(x_selected, batch_selected, num_segments=num_graphs)
    counts = jax.ops.segment_sum(jnp.ones((x_selected.shape[0],), dtype=x.dtype), batch_selected, num_segments=num_graphs)
    out = summed / jnp.clip(counts, 1.0, None)[:, None]
    out = jax.nn.relu(out @ lin1_w + lin1_b)
    out = out @ lin2_w + lin2_b
    return out

if __name__ == "__main__":
    import jax
    _d = setup_inputs()
    print(jax.jit(kernel)(*tuple(_d.values())))

</pallas_src>

<mosaic_0001>
#map = affine_map<(d0, d1) -> (0)>
#map1 = affine_map<(d0, d1) -> (0, 0)>
module attributes {stable_mosaic.version = 14 : i64} {
  func.func @_gs_kernel(%arg0: i32, %arg1: i32, %arg2: memref<327680xi32, #tpu.memory_space<hbm>>, %arg3: memref<327680xi32, #tpu.memory_space<hbm>>, %arg4: memref<10240x128xf32, #tpu.memory_space<hbm>>, %arg5: memref<10240x128xf32, #tpu.memory_space<hbm>>, %arg6: memref<20480x128xf32, #tpu.memory_space<hbm>>, %arg7: memref<128xi32, #tpu.memory_space<vmem>>, %arg8: memref<128xi32, #tpu.memory_space<vmem>>, %arg9: memref<128xi32, #tpu.memory_space<vmem>>, %arg10: memref<128xi32, #tpu.memory_space<vmem>>, %arg11: memref<128x128xf32, #tpu.memory_space<vmem>>, %arg12: memref<128x128xf32, #tpu.memory_space<vmem>>, %arg13: memref<!tpu.dma_semaphore, #tpu.memory_space<semaphore_mem>>, %arg14: memref<!tpu.dma_semaphore, #tpu.memory_space<semaphore_mem>>, %arg15: memref<10240x128xf32, #tpu.memory_space<vmem_shared>>) attributes {dimension_semantics = [#tpu.dimension_semantics<core_parallel>, #tpu.dimension_semantics<subcore_parallel>], iteration_bounds = array<i64: 2, 16>, scalar_prefetch = 0 : i64, scratch_operands = 9 : i64, tpu.core_type = #tpu.core_type<sc_vector_subcore>, window_params = [{transform_indices = #map}, {transform_indices = #map}, {transform_indices = #map1}, {transform_indices = #map1}, {transform_indices = #map1}]} {
    %mul3A = arith.constant 2 : i32
    %mul3A_0 = arith.muli %arg1, %mul3A : i32
    %add3A = arith.addi %mul3A_0, %arg0 : i32
    %mul3A_1 = arith.constant 10240 : i32
    %mul3A_2 = arith.muli %add3A, %mul3A_1 : i32
    %mul3A_3 = arith.constant 640 : i32
    %mul3A_4 = arith.muli %arg1, %mul3A_3 : i32
    %mul3A_5 = arith.constant 640 : i32
    %mul3A_6 = arith.muli %arg1, %mul3A_5 : i32
    "tpu.region"() ({
      %run_scoped3A = tpu.sem_alloc : memref<!tpu.dma_semaphore, #tpu.memory_space<semaphore_mem>>
      %dma_start3A = arith.constant 0 : i32
      %dma_start3A_20 = tpu.memref_slice %arg15[%mul3A_6, %dma_start3A] : memref<10240x128xf32, #tpu.memory_space<vmem_shared>> -> memref<640x128xf32, #tpu.memory_space<vmem_shared>>
      %dma_start3A_21 = arith.constant 0 : i32
      %dma_start3A_22 = tpu.memref_slice %arg5[%mul3A_4, %dma_start3A_21] : memref<10240x128xf32, #tpu.memory_space<hbm>> -> memref<640x128xf32, #tpu.memory_space<hbm>>
      tpu.enqueue_dma source(%dma_start3A_22 : memref<640x128xf32, #tpu.memory_space<hbm>>) target(%dma_start3A_20 : memref<640x128xf32, #tpu.memory_space<vmem_shared>>) target_semaphore(%run_scoped3A : memref<!tpu.dma_semaphore, #tpu.memory_space<semaphore_mem>>)
      %dma_wait3A = arith.constant 0 : i32
      %dma_wait3A_23 = tpu.memref_slice %arg15[%mul3A_6, %dma_wait3A] : memref<10240x128xf32, #tpu.memory_space<vmem_shared>> -> memref<640x128xf32, #tpu.memory_space<vmem_shared>>
      %dma_wait3A_24 = arith.constant 0 : i32
      %dma_wait3A_25 = tpu.memref_slice %arg5[%mul3A_4, %dma_wait3A_24] : memref<10240x128xf32, #tpu.memory_space<hbm>> -> memref<640x128xf32, #tpu.memory_space<hbm>>
      tpu.wait_dma2 semaphore(%run_scoped3A : memref<!tpu.dma_semaphore, #tpu.memory_space<semaphore_mem>>) src(%dma_wait3A_25 : memref<640x128xf32, #tpu.memory_space<hbm>>) dst(%dma_wait3A_23 : memref<640x128xf32, #tpu.memory_space<vmem_shared>>)
      tpu.yield
    }) : () -> ()
    %barrier3A = arith.constant 0 : index
    tpu.barrier barrier_id(%barrier3A)
    %scan3A = arith.constant 0 : i32
    %scan3A_7 = arith.constant 0 : i32
    %scan3A_8 = arith.constant 80 : i32
    %scan3A_9 = arith.addi %scan3A_7, %scan3A_8 : i32
    %scan3A_10 = arith.constant 1 : i32
    scf.for %scan3A_20 = %scan3A_7 to %scan3A_9 step %scan3A_10  : i32 {
      %mul3A_21 = arith.constant 128 : i32
      %mul3A_22 = arith.muli %scan3A_20, %mul3A_21 : i32
      %add3A_23 = arith.addi %mul3A_2, %mul3A_22 : i32
      "tpu.region"() ({
        %run_scoped3A = tpu.sem_alloc : memref<!tpu.dma_semaphore, #tpu.memory_space<semaphore_mem>>
        %dma_start3A_28 = tpu.memref_slice %arg2[%add3A_23] : memref<327680xi32, #tpu.memory_space<hbm>> -> memref<128xi32, #tpu.memory_space<hbm>>
        %dma_start3A_29 = tpu.memref_slice %arg2[%add3A_23] : memref<327680xi32, #tpu.memory_space<hbm>> -> memref<128xi32, #tpu.memory_space<hbm>>
        tpu.enqueue_dma source(%dma_start3A_29 : memref<128xi32, #tpu.memory_space<hbm>>) target(%arg7 : memref<128xi32, #tpu.memory_space<vmem>>) target_semaphore(%run_scoped3A : memref<!tpu.dma_semaphore, #tpu.memory_space<semaphore_mem>>)
        %dma_wait3A_30 = tpu.memref_slice %arg2[%add3A_23] : memref<327680xi32, #tpu.memory_space<hbm>> -> memref<128xi32, #tpu.memory_space<hbm>>
        %dma_wait3A_31 = tpu.memref_slice %arg2[%add3A_23] : memref<327680xi32, #tpu.memory_space<hbm>> -> memref<128xi32, #tpu.memory_space<hbm>>
        tpu.wait_dma2 semaphore(%run_scoped3A : memref<!tpu.dma_semaphore, #tpu.memory_space<semaphore_mem>>) src(%dma_wait3A_31 : memref<128xi32, #tpu.memory_space<hbm>>) dst(%arg7 : memref<128xi32, #tpu.memory_space<vmem>>)
        tpu.yield
      }) : () -> ()
      "tpu.region"() ({
        %run_scoped3A = tpu.sem_alloc : memref<!tpu.dma_semaphore, #tpu.memory_space<semaphore_mem>>
        %dma_start3A_28 = tpu.memref_slice %arg3[%add3A_23] : memref<327680xi32, #tpu.memory_space<hbm>> -> memref<128xi32, #tpu.memory_space<hbm>>
        %dma_start3A_29 = tpu.memref_slice %arg3[%add3A_23] : memref<327680xi32, #tpu.memory_space<hbm>> -> memref<128xi32, #tpu.memory_space<hbm>>
        tpu.enqueue_dma source(%dma_start3A_29 : memref<128xi32, #tpu.memory_space<hbm>>) target(%arg8 : memref<128xi32, #tpu.memory_space<vmem>>) target_semaphore(%run_scoped3A : memref<!tpu.dma_semaphore, #tpu.memory_space<semaphore_mem>>)
        %dma_wait3A_30 = tpu.memref_slice %arg3[%add3A_23] : memref<327680xi32, #tpu.memory_space<hbm>> -> memref<128xi32, #tpu.memory_space<hbm>>
        %dma_wait3A_31 = tpu.memref_slice %arg3[%add3A_23] : memref<327680xi32, #tpu.memory_space<hbm>> -> memref<128xi32, #tpu.memory_space<hbm>>
        tpu.wait_dma2 semaphore(%run_scoped3A : memref<!tpu.dma_semaphore, #tpu.memory_space<semaphore_mem>>) src(%dma_wait3A_31 : memref<128xi32, #tpu.memory_space<hbm>>) dst(%arg8 : memref<128xi32, #tpu.memory_space<vmem>>)
        tpu.yield
      }) : () -> ()
      %dma_start3A = arith.constant 0 : i32
      %dma_start3A_24 = arith.constant 0 : i32
      %dma_start3A_25 = tpu.memref_slice %arg4[%dma_start3A, %dma_start3A_24] : memref<10240x128xf32, #tpu.memory_space<hbm>> -> memref<10240x128xf32, #tpu.memory_space<hbm>>
      tpu.enqueue_indirect_dma source(%dma_start3A_25 : memref<10240x128xf32, #tpu.memory_space<hbm>>) target(%arg11 : memref<128x128xf32, #tpu.memory_space<vmem>>) offsets(%arg7 : memref<128xi32, #tpu.memory_space<vmem>>) semaphore(%arg13 : memref<!tpu.dma_semaphore, #tpu.memory_space<semaphore_mem>>)
      %dma_wait3A = arith.constant 0 : i32
      %dma_wait3A_26 = arith.constant 0 : i32
      %dma_wait3A_27 = tpu.memref_slice %arg4[%dma_wait3A, %dma_wait3A_26] : memref<10240x128xf32, #tpu.memory_space<hbm>> -> memref<10240x128xf32, #tpu.memory_space<hbm>>
      tpu.wait_indirect_dma semaphore(%arg13 : memref<!tpu.dma_semaphore, #tpu.memory_space<semaphore_mem>>) src(%dma_wait3A_27 : memref<10240x128xf32, #tpu.memory_space<hbm>>) dst(%arg11 : memref<128x128xf32, #tpu.memory_space<vmem>>)
      "tpu.region"() ({
        %run_scoped3A = tpu.sem_alloc : memref<!tpu.dma_semaphore, #tpu.memory_space<semaphore_mem>>
        %dma_start3A_28 = arith.constant 0 : i32
        %dma_start3A_29 = arith.constant 0 : i32
        %dma_start3A_30 = tpu.memref_slice %arg15[%dma_start3A_28, %dma_start3A_29] : memref<10240x128xf32, #tpu.memory_space<vmem_shared>> -> memref<10240x128xf32, #tpu.memory_space<vmem_shared>>
        tpu.enqueue_indirect_dma source(%arg11 : memref<128x128xf32, #tpu.memory_space<vmem>>) target(%dma_start3A_30 : memref<10240x128xf32, #tpu.memory_space<vmem_shared>>) offsets(%arg8 : memref<128xi32, #tpu.memory_space<vmem>>) semaphore(%run_scoped3A : memref<!tpu.dma_semaphore, #tpu.memory_space<semaphore_mem>>) {add = true}
        %dma_wait3A_31 = arith.constant 0 : i32
        %dma_wait3A_32 = arith.constant 0 : i32
        %dma_wait3A_33 = tpu.memref_slice %arg15[%dma_wait3A_31, %dma_wait3A_32] : memref<10240x128xf32, #tpu.memory_space<vmem_shared>> -> memref<10240x128xf32, #tpu.memory_space<vmem_shared>>
        tpu.wait_indirect_dma semaphore(%run_scoped3A : memref<!tpu.dma_semaphore, #tpu.memory_space<semaphore_mem>>) src(%arg11 : memref<128x128xf32, #tpu.memory_space<vmem>>) dst(%dma_wait3A_33 : memref<10240x128xf32, #tpu.memory_space<vmem_shared>>)
        tpu.yield
      }) : () -> ()
    }
    %scan3A_11 = arith.constant 80 : i32
    %barrier3A_12 = arith.constant 0 : index
    tpu.barrier barrier_id(%barrier3A_12)
    %mul3A_13 = arith.constant 640 : i32
    %mul3A_14 = arith.muli %arg1, %mul3A_13 : i32
    %mul3A_15 = arith.constant 10240 : i32
    %mul3A_16 = arith.muli %arg0, %mul3A_15 : i32
    %mul3A_17 = arith.constant 640 : i32
    %mul3A_18 = arith.muli %arg1, %mul3A_17 : i32
    %add3A_19 = arith.addi %mul3A_16, %mul3A_18 : i32
    "tpu.region"() ({
      %run_scoped3A = tpu.sem_alloc : memref<!tpu.dma_semaphore, #tpu.memory_space<semaphore_mem>>
      %dma_start3A = arith.constant 0 : i32
      %dma_start3A_20 = tpu.memref_slice %arg6[%add3A_19, %dma_start3A] : memref<20480x128xf32, #tpu.memory_space<hbm>> -> memref<640x128xf32, #tpu.memory_space<hbm>>
      %dma_start3A_21 = arith.constant 0 : i32
      %dma_start3A_22 = tpu.memref_slice %arg15[%mul3A_14, %dma_start3A_21] : memref<10240x128xf32, #tpu.memory_space<vmem_shared>> -> memref<640x128xf32, #tpu.memory_space<vmem_shared>>
      tpu.enqueue_dma source(%dma_start3A_22 : memref<640x128xf32, #tpu.memory_space<vmem_shared>>) target(%dma_start3A_20 : memref<640x128xf32, #tpu.memory_space<hbm>>) target_semaphore(%run_scoped3A : memref<!tpu.dma_semaphore, #tpu.memory_space<semaphore_mem>>)
      %dma_wait3A = arith.constant 0 : i32
      %dma_wait3A_23 = tpu.memref_slice %arg6[%add3A_19, %dma_wait3A] : memref<20480x128xf32, #tpu.memory_space<hbm>> -> memref<640x128xf32, #tpu.memory_space<hbm>>
      %dma_wait3A_24 = arith.constant 0 : i32
      %dma_wait3A_25 = tpu.memref_slice %arg15[%mul3A_14, %dma_wait3A_24] : memref<10240x128xf32, #tpu.memory_space<vmem_shared>> -> memref<640x128xf32, #tpu.memory_space<vmem_shared>>
      tpu.wait_dma2 semaphore(%run_scoped3A : memref<!tpu.dma_semaphore, #tpu.memory_space<semaphore_mem>>) src(%dma_wait3A_25 : memref<640x128xf32, #tpu.memory_space<vmem_shared>>) dst(%dma_wait3A_23 : memref<640x128xf32, #tpu.memory_space<hbm>>)
      tpu.yield
    }) : () -> ()
    return
  }
}

#map = affine_map<(d0, d1) -> (0, 0, 0)>
#map1 = affine_map<(d0, d1) -> (0)>
module attributes {stable_mosaic.version = 14 : i64} {
  func.func @_deg_kernel(%arg0: i32, %arg1: i32, %arg2: memref<32x80x128xi32, #tpu.memory_space<hbm>>, %arg3: memref<10240xf32, #tpu.memory_space<hbm>>, %arg4: memref<20480xf32, #tpu.memory_space<hbm>>, %arg5: memref<80x128xi32, #tpu.memory_space<vmem>>, %arg6: memref<128xf32, #tpu.memory_space<vmem>>, %arg7: memref<10240xf32, #tpu.memory_space<vmem_shared>>) attributes {dimension_semantics = [#tpu.dimension_semantics<core_parallel>, #tpu.dimension_semantics<subcore_parallel>], iteration_bounds = array<i64: 2, 16>, scalar_prefetch = 0 : i64, scratch_operands = 3 : i64, tpu.core_type = #tpu.core_type<sc_vector_subcore>, window_params = [{transform_indices = #map}, {transform_indices = #map1}, {transform_indices = #map1}]} {
    %mul3A = arith.constant 2 : i32
    %mul3A_0 = arith.muli %arg1, %mul3A : i32
    %add3A = arith.addi %mul3A_0, %arg0 : i32
    %scan3A = arith.constant 0 : i32
    %scan3A_1 = arith.constant 0 : i32
    %scan3A_2 = arith.constant 8 : i32
    %scan3A_3 = arith.addi %scan3A_1, %scan3A_2 : i32
    %scan3A_4 = arith.constant 1 : i32
    scf.for %scan3A_24 = %scan3A_1 to %scan3A_3 step %scan3A_4  : i32 {
      %broadcast_in_dim3A = arith.constant 1.000000e+00 : f32
      %broadcast_in_dim3A_25 = vector.broadcast %broadcast_in_dim3A : f32 to vector<16xf32>
      %mul3A_26 = arith.constant 16 : i32
      %mul3A_27 = arith.muli %scan3A_24, %mul3A_26 : i32
      %swap3A = arith.index_cast %mul3A_27 : i32 to index
      %swap3A_28 = tpu.vector_load %arg6[%swap3A] {strides = array<i32>} : memref<128xf32, #tpu.memory_space<vmem>>, vector<16xf32>,
      %swap3A_29 = vector.shape_cast %swap3A_28 : vector<16xf32> to vector<16xf32>
      %swap3A_30 = vector.shape_cast %broadcast_in_dim3A_25 : vector<16xf32> to vector<16xf32>
      tpu.vector_store %arg6[%swap3A], %swap3A_30 {strides = array<i32>} : memref<128xf32, #tpu.memory_space<vmem>>, vector<16xf32>,
    }
    %scan3A_5 = arith.constant 8 : i32
    "tpu.region"() ({
      %run_scoped3A = tpu.sem_alloc : memref<!tpu.dma_semaphore, #tpu.memory_space<semaphore_mem>>
      %dma_start3A = arith.constant 0 : i32
      %dma_start3A_24 = arith.constant 0 : i32
      %dma_start3A_25 = tpu.memref_slice %arg2[%add3A, %dma_start3A, %dma_start3A_24] : memref<32x80x128xi32, #tpu.memory_space<hbm>> -> memref<1x80x128xi32, #tpu.memory_space<hbm>>
      %dma_start3A_26 = tpu.memref_squeeze %dma_start3A_25 : memref<1x80x128xi32, #tpu.memory_space<hbm>> -> memref<80x128xi32, #tpu.memory_space<hbm>>
      %dma_start3A_27 = arith.constant 0 : i32
      %dma_start3A_28 = arith.constant 0 : i32
      %dma_start3A_29 = tpu.memref_slice %arg2[%add3A, %dma_start3A_27, %dma_start3A_28] : memref<32x80x128xi32, #tpu.memory_space<hbm>> -> memref<1x80x128xi32, #tpu.memory_space<hbm>>
      %dma_start3A_30 = tpu.memref_squeeze %dma_start3A_29 : memref<1x80x128xi32, #tpu.memory_space<hbm>> -> memref<80x128xi32, #tpu.memory_space<hbm>>
      tpu.enqueue_dma source(%dma_start3A_30 : memref<80x128xi32, #tpu.memory_space<hbm>>) target(%arg5 : memref<80x128xi32, #tpu.memory_space<vmem>>) target_semaphore(%run_scoped3A : memref<!tpu.dma_semaphore, #tpu.memory_space<semaphore_mem>>)
      %dma_wait3A = arith.constant 0 : i32
      %dma_wait3A_31 = arith.constant 0 : i32
      %dma_wait3A_32 = tpu.memref_slice %arg2[%add3A, %dma_wait3A, %dma_wait3A_31] : memref<32x80x128xi32, #tpu.memory_space<hbm>> -> memref<1x80x128xi32, #tpu.memory_space<hbm>>
      %dma_wait3A_33 = tpu.memref_squeeze %dma_wait3A_32 : memref<1x80x128xi32, #tpu.memory_space<hbm>> -> memref<80x128xi32, #tpu.memory_space<hbm>>
      %dma_wait3A_34 = arith.constant 0 : i32
      %dma_wait3A_35 = arith.constant 0 : i32
      %dma_wait3A_36 = tpu.memref_slice %arg2[%add3A, %dma_wait3A_34, %dma_wait3A_35] : memref<32x80x128xi32, #tpu.memory_space<hbm>> -> memref<1x80x128xi32, #tpu.memory_space<hbm>>
      %dma_wait3A_37 = tpu.memref_squeeze %dma_wait3A_36 : memref<1x80x128xi32, #tpu.memory_space<hbm>> -> memref<80x128xi32, #tpu.memory_space<hbm>>
      tpu.wait_dma2 semaphore(%run_scoped3A : memref<!tpu.dma_semaphore, #tpu.memory_space<semaphore_mem>>) src(%dma_wait3A_37 : memref<80x128xi32, #tpu.memory_space<hbm>>) dst(%arg5 : memref<80x128xi32, #tpu.memory_space<vmem>>)
      tpu.yield
    }) : () -> ()
    %mul3A_6 = arith.constant 640 : i32
    %mul3A_7 = arith.muli %arg1, %mul3A_6 : i32
    %mul3A_8 = arith.constant 640 : i32
    %mul3A_9 = arith.muli %arg1, %mul3A_8 : i32
    "tpu.region"() ({
      %run_scoped3A = tpu.sem_alloc : memref<!tpu.dma_semaphore, #tpu.memory_space<semaphore_mem>>
      %dma_start3A = tpu.memref_slice %arg7[%mul3A_9] : memref<10240xf32, #tpu.memory_space<vmem_shared>> -> memref<640xf32, #tpu.memory_space<vmem_shared>>
      %dma_start3A_24 = tpu.memref_slice %arg3[%mul3A_7] : memref<10240xf32, #tpu.memory_space<hbm>> -> memref<640xf32, #tpu.memory_space<hbm>>
      tpu.enqueue_dma source(%dma_start3A_24 : memref<640xf32, #tpu.memory_space<hbm>>) target(%dma_start3A : memref<640xf32, #tpu.memory_space<vmem_shared>>) target_semaphore(%run_scoped3A : memref<!tpu.dma_semaphore, #tpu.memory_space<semaphore_mem>>)
      %dma_wait3A = tpu.memref_slice %arg7[%mul3A_9] : memref<10240xf32, #tpu.memory_space<vmem_shared>> -> memref<640xf32, #tpu.memory_space<vmem_shared>>
      %dma_wait3A_25 = tpu.memref_slice %arg3[%mul3A_7] : memref<10240xf32, #tpu.memory_space<hbm>> -> memref<640xf32, #tpu.memory_space<hbm>>
      tpu.wait_dma2 semaphore(%run_scoped3A : memref<!tpu.dma_semaphore, #tpu.memory_space<semaphore_mem>>) src(%dma_wait3A_25 : memref<640xf32, #tpu.memory_space<hbm>>) dst(%dma_wait3A : memref<640xf32, #tpu.memory_space<vmem_shared>>)
      tpu.yield
    }) : () -> ()
    %barrier3A = arith.constant 0 : index
    tpu.barrier barrier_id(%barrier3A)
    %scan3A_10 = arith.constant 0 : i32
    %scan3A_11 = arith.constant 0 : i32
    %scan3A_12 = arith.constant 80 : i32
    %scan3A_13 = arith.addi %scan3A_11, %scan3A_12 : i32
    %scan3A_14 = arith.constant 1 : i32
    scf.for %scan3A_24 = %scan3A_11 to %scan3A_13 step %scan3A_14  : i32 {
      "tpu.region"() ({
        %run_scoped3A = tpu.sem_alloc : memref<!tpu.dma_semaphore, #tpu.memory_space<semaphore_mem>>
        %dma_start3A = arith.constant 0 : i32
        %dma_start3A_25 = tpu.memref_slice %arg5[%scan3A_24, %dma_start3A] : memref<80x128xi32, #tpu.memory_space<vmem>> -> memref<1x128xi32, #tpu.memory_space<vmem>>
        %dma_start3A_26 = tpu.memref_squeeze %dma_start3A_25 : memref<1x128xi32, #tpu.memory_space<vmem>> -> memref<128xi32, #tpu.memory_space<vmem>>
        %dma_start3A_27 = arith.constant 0 : i32
        %dma_start3A_28 = tpu.memref_slice %arg7[%dma_start3A_27] : memref<10240xf32, #tpu.memory_space<vmem_shared>> -> memref<10240xf32, #tpu.memory_space<vmem_shared>>
        tpu.enqueue_indirect_dma source(%arg6 : memref<128xf32, #tpu.memory_space<vmem>>) target(%dma_start3A_28 : memref<10240xf32, #tpu.memory_space<vmem_shared>>) offsets(%dma_start3A_26 : memref<128xi32, #tpu.memory_space<vmem>>) semaphore(%run_scoped3A : memref<!tpu.dma_semaphore, #tpu.memory_space<semaphore_mem>>) {add = true}
        %dma_wait3A = arith.constant 0 : i32
        %dma_wait3A_29 = tpu.memref_slice %arg5[%scan3A_24, %dma_wait3A] : memref<80x128xi32, #tpu.memory_space<vmem>> -> memref<1x128xi32, #tpu.memory_space<vmem>>
        %dma_wait3A_30 = tpu.memref_squeeze %dma_wait3A_29 : memref<1x128xi32, #tpu.memory_space<vmem>> -> memref<128xi32, #tpu.memory_space<vmem>>
        %dma_wait3A_31 = arith.constant 0 : i32
        %dma_wait3A_32 = tpu.memref_slice %arg7[%dma_wait3A_31] : memref<10240xf32, #tpu.memory_space<vmem_shared>> -> memref<10240xf32, #tpu.memory_space<vmem_shared>>
        tpu.wait_indirect_dma semaphore(%run_scoped3A : memref<!tpu.dma_semaphore, #tpu.memory_space<semaphore_mem>>) src(%arg6 : memref<128xf32, #tpu.memory_space<vmem>>) dst(%dma_wait3A_32 : memref<10240xf32, #tpu.memory_space<vmem_shared>>)
        tpu.yield
      }) : () -> ()
    }
    %scan3A_15 = arith.constant 80 : i32
    %barrier3A_16 = arith.constant 0 : index
    tpu.barrier barrier_id(%barrier3A_16)
    %mul3A_17 = arith.constant 640 : i32
    %mul3A_18 = arith.muli %arg1, %mul3A_17 : i32
    %mul3A_19 = arith.constant 10240 : i32
    %mul3A_20 = arith.muli %arg0, %mul3A_19 : i32
    %mul3A_21 = arith.constant 640 : i32
    %mul3A_22 = arith.muli %arg1, %mul3A_21 : i32
    %add3A_23 = arith.addi %mul3A_20, %mul3A_22 : i32
    "tpu.region"() ({
      %run_scoped3A = tpu.sem_alloc : memref<!tpu.dma_semaphore, #tpu.memory_space<semaphore_mem>>
      %dma_start3A = tpu.memref_slice %arg4[%add3A_23] : memref<20480xf32, #tpu.memory_space<hbm>> -> memref<640xf32, #tpu.memory_space<hbm>>
      %dma_start3A_24 = tpu.memref_slice %arg7[%mul3A_18] : memref<10240xf32, #tpu.memory_space<vmem_shared>> -> memref<640xf32, #tpu.memory_space<vmem_shared>>
      tpu.enqueue_dma source(%dma_start3A_24 : memref<640xf32, #tpu.memory_space<vmem_shared>>) target(%dma_start3A : memref<640xf32, #tpu.memory_space<hbm>>) target_semaphore(%run_scoped3A : memref<!tpu.dma_semaphore, #tpu.memory_space<semaphore_mem>>)
      %dma_wait3A = tpu.memref_slice %arg4[%add3A_23] : memref<20480xf32, #tpu.memory_space<hbm>> -> memref<640xf32, #tpu.memory_space<hbm>>
      %dma_wait3A_25 = tpu.memref_slice %arg7[%mul3A_18] : memref<10240xf32, #tpu.memory_space<vmem_shared>> -> memref<640xf32, #tpu.memory_space<vmem_shared>>
      tpu.wait_dma2 semaphore(%run_scoped3A : memref<!tpu.dma_semaphore, #tpu.memory_space<semaphore_mem>>) src(%dma_wait3A_25 : memref<640xf32, #tpu.memory_space<vmem_shared>>) dst(%dma_wait3A : memref<640xf32, #tpu.memory_space<hbm>>)
      tpu.yield
    }) : () -> ()
    return
  }
}

#map = affine_map<(d0, d1) -> (0)>
#map1 = affine_map<(d0, d1) -> (0, 0)>
module attributes {stable_mosaic.version = 14 : i64} {
  func.func @_gs_kernel(%arg0: i32, %arg1: i32, %arg2: memref<327680xi32, #tpu.memory_space<hbm>>, %arg3: memref<327680xi32, #tpu.memory_space<hbm>>, %arg4: memref<10240x128xf32, #tpu.memory_space<hbm>>, %arg5: memref<10240x128xf32, #tpu.memory_space<hbm>>, %arg6: memref<20480x128xf32, #tpu.memory_space<hbm>>, %arg7: memref<128xi32, #tpu.memory_space<vmem>>, %arg8: memref<128xi32, #tpu.memory_space<vmem>>, %arg9: memref<128xi32, #tpu.memory_space<vmem>>, %arg10: memref<128xi32, #tpu.memory_space<vmem>>, %arg11: memref<128x128xf32, #tpu.memory_space<vmem>>, %arg12: memref<128x128xf32, #tpu.memory_space<vmem>>, %arg13: memref<!tpu.dma_semaphore, #tpu.memory_space<semaphore_mem>>, %arg14: memref<!tpu.dma_semaphore, #tpu.memory_space<semaphore_mem>>, %arg15: memref<10240x128xf32, #tpu.memory_space<vmem_shared>>) attributes {dimension_semantics = [#tpu.dimension_semantics<core_parallel>, #tpu.dimension_semantics<subcore_parallel>], iteration_bounds = array<i64: 2, 16>, scalar_prefetch = 0 : i64, scratch_operands = 9 : i64, tpu.core_type = #tpu.core_type<sc_vector_subcore>, window_params = [{transform_indices = #map}, {transform_indices = #map}, {transform_indices = #map1}, {transform_indices = #map1}, {transform_indices = #map1}]} {
    %mul3A = arith.constant 2 : i32
    %mul3A_0 = arith.muli %arg1, %mul3A : i32
    %add3A = arith.addi %mul3A_0, %arg0 : i32
    %mul3A_1 = arith.constant 10240 : i32
    %mul3A_2 = arith.muli %add3A, %mul3A_1 : i32
    %mul3A_3 = arith.constant 640 : i32
    %mul3A_4 = arith.muli %arg1, %mul3A_3 : i32
    %mul3A_5 = arith.constant 640 : i32
    %mul3A_6 = arith.muli %arg1, %mul3A_5 : i32
    "tpu.region"() ({
      %run_scoped3A = tpu.sem_alloc : memref<!tpu.dma_semaphore, #tpu.memory_space<semaphore_mem>>
      %dma_start3A = arith.constant 0 : i32
      %dma_start3A_20 = tpu.memref_slice %arg15[%mul3A_6, %dma_start3A] : memref<10240x128xf32, #tpu.memory_space<vmem_shared>> -> memref<640x128xf32, #tpu.memory_space<vmem_shared>>
      %dma_start3A_21 = arith.constant 0 : i32
      %dma_start3A_22 = tpu.memref_slice %arg5[%mul3A_4, %dma_start3A_21] : memref<10240x128xf32, #tpu.memory_space<hbm>> -> memref<640x128xf32, #tpu.memory_space<hbm>>
      tpu.enqueue_dma source(%dma_start3A_22 : memref<640x128xf32, #tpu.memory_space<hbm>>) target(%dma_start3A_20 : memref<640x128xf32, #tpu.memory_space<vmem_shared>>) target_semaphore(%run_scoped3A : memref<!tpu.dma_semaphore, #tpu.memory_space<semaphore_mem>>)
      %dma_wait3A = arith.constant 0 : i32
      %dma_wait3A_23 = tpu.memref_slice %arg15[%mul3A_6, %dma_wait3A] : memref<10240x128xf32, #tpu.memory_space<vmem_shared>> -> memref<640x128xf32, #tpu.memory_space<vmem_shared>>
      %dma_wait3A_24 = arith.constant 0 : i32
      %dma_wait3A_25 = tpu.memref_slice %arg5[%mul3A_4, %dma_wait3A_24] : memref<10240x128xf32, #tpu.memory_space<hbm>> -> memref<640x128xf32, #tpu.memory_space<hbm>>
      tpu.wait_dma2 semaphore(%run_scoped3A : memref<!tpu.dma_semaphore, #tpu.memory_space<semaphore_mem>>) src(%dma_wait3A_25 : memref<640x128xf32, #tpu.memory_space<hbm>>) dst(%dma_wait3A_23 : memref<640x128xf32, #tpu.memory_space<vmem_shared>>)
      tpu.yield
    }) : () -> ()
    %barrier3A = arith.constant 0 : index
    tpu.barrier barrier_id(%barrier3A)
    %scan3A = arith.constant 0 : i32
    %scan3A_7 = arith.constant 0 : i32
    %scan3A_8 = arith.constant 80 : i32
    %scan3A_9 = arith.addi %scan3A_7, %scan3A_8 : i32
    %scan3A_10 = arith.constant 1 : i32
    scf.for %scan3A_20 = %scan3A_7 to %scan3A_9 step %scan3A_10  : i32 {
      %mul3A_21 = arith.constant 128 : i32
      %mul3A_22 = arith.muli %scan3A_20, %mul3A_21 : i32
      %add3A_23 = arith.addi %mul3A_2, %mul3A_22 : i32
      "tpu.region"() ({
        %run_scoped3A = tpu.sem_alloc : memref<!tpu.dma_semaphore, #tpu.memory_space<semaphore_mem>>
        %dma_start3A_28 = tpu.memref_slice %arg2[%add3A_23] : memref<327680xi32, #tpu.memory_space<hbm>> -> memref<128xi32, #tpu.memory_space<hbm>>
        %dma_start3A_29 = tpu.memref_slice %arg2[%add3A_23] : memref<327680xi32, #tpu.memory_space<hbm>> -> memref<128xi32, #tpu.memory_space<hbm>>
        tpu.enqueue_dma source(%dma_start3A_29 : memref<128xi32, #tpu.memory_space<hbm>>) target(%arg7 : memref<128xi32, #tpu.memory_space<vmem>>) target_semaphore(%run_scoped3A : memref<!tpu.dma_semaphore, #tpu.memory_space<semaphore_mem>>)
        %dma_wait3A_30 = tpu.memref_slice %arg2[%add3A_23] : memref<327680xi32, #tpu.memory_space<hbm>> -> memref<128xi32, #tpu.memory_space<hbm>>
        %dma_wait3A_31 = tpu.memref_slice %arg2[%add3A_23] : memref<327680xi32, #tpu.memory_space<hbm>> -> memref<128xi32, #tpu.memory_space<hbm>>
        tpu.wait_dma2 semaphore(%run_scoped3A : memref<!tpu.dma_semaphore, #tpu.memory_space<semaphore_mem>>) src(%dma_wait3A_31 : memref<128xi32, #tpu.memory_space<hbm>>) dst(%arg7 : memref<128xi32, #tpu.memory_space<vmem>>)
        tpu.yield
      }) : () -> ()
      "tpu.region"() ({
        %run_scoped3A = tpu.sem_alloc : memref<!tpu.dma_semaphore, #tpu.memory_space<semaphore_mem>>
        %dma_start3A_28 = tpu.memref_slice %arg3[%add3A_23] : memref<327680xi32, #tpu.memory_space<hbm>> -> memref<128xi32, #tpu.memory_space<hbm>>
        %dma_start3A_29 = tpu.memref_slice %arg3[%add3A_23] : memref<327680xi32, #tpu.memory_space<hbm>> -> memref<128xi32, #tpu.memory_space<hbm>>
        tpu.enqueue_dma source(%dma_start3A_29 : memref<128xi32, #tpu.memory_space<hbm>>) target(%arg8 : memref<128xi32, #tpu.memory_space<vmem>>) target_semaphore(%run_scoped3A : memref<!tpu.dma_semaphore, #tpu.memory_space<semaphore_mem>>)
        %dma_wait3A_30 = tpu.memref_slice %arg3[%add3A_23] : memref<327680xi32, #tpu.memory_space<hbm>> -> memref<128xi32, #tpu.memory_space<hbm>>
        %dma_wait3A_31 = tpu.memref_slice %arg3[%add3A_23] : memref<327680xi32, #tpu.memory_space<hbm>> -> memref<128xi32, #tpu.memory_space<hbm>>
        tpu.wait_dma2 semaphore(%run_scoped3A : memref<!tpu.dma_semaphore, #tpu.memory_space<semaphore_mem>>) src(%dma_wait3A_31 : memref<128xi32, #tpu.memory_space<hbm>>) dst(%arg8 : memref<128xi32, #tpu.memory_space<vmem>>)
        tpu.yield
      }) : () -> ()
      %dma_start3A = arith.constant 0 : i32
      %dma_start3A_24 = arith.constant 0 : i32
      %dma_start3A_25 = tpu.memref_slice %arg4[%dma_start3A, %dma_start3A_24] : memref<10240x128xf32, #tpu.memory_space<hbm>> -> memref<10240x128xf32, #tpu.memory_space<hbm>>
      tpu.enqueue_indirect_dma source(%dma_start3A_25 : memref<10240x128xf32, #tpu.memory_space<hbm>>) target(%arg11 : memref<128x128xf32, #tpu.memory_space<vmem>>) offsets(%arg7 : memref<128xi32, #tpu.memory_space<vmem>>) semaphore(%arg13 : memref<!tpu.dma_semaphore, #tpu.memory_space<semaphore_mem>>)
      %dma_wait3A = arith.constant 0 : i32
      %dma_wait3A_26 = arith.constant 0 : i32
      %dma_wait3A_27 = tpu.memref_slice %arg4[%dma_wait3A, %dma_wait3A_26] : memref<10240x128xf32, #tpu.memory_space<hbm>> -> memref<10240x128xf32, #tpu.memory_space<hbm>>
      tpu.wait_indirect_dma semaphore(%arg13 : memref<!tpu.dma_semaphore, #tpu.memory_space<semaphore_mem>>) src(%dma_wait3A_27 : memref<10240x128xf32, #tpu.memory_space<hbm>>) dst(%arg11 : memref<128x128xf32, #tpu.memory_space<vmem>>)
      "tpu.region"() ({
        %run_scoped3A = tpu.sem_alloc : memref<!tpu.dma_semaphore, #tpu.memory_space<semaphore_mem>>
        %dma_start3A_28 = arith.constant 0 : i32
        %dma_start3A_29 = arith.constant 0 : i32
        %dma_start3A_30 = tpu.memref_slice %arg15[%dma_start3A_28, %dma_start3A_29] : memref<10240x128xf32, #tpu.memory_space<vmem_shared>> -> memref<10240x128xf32, #tpu.memory_space<vmem_shared>>
        tpu.enqueue_indirect_dma source(%arg11 : memref<128x128xf32, #tpu.memory_space<vmem>>) target(%dma_start3A_30 : memref<10240x128xf32, #tpu.memory_space<vmem_shared>>) offsets(%arg8 : memref<128xi32, #tpu.memory_space<vmem>>) semaphore(%run_scoped3A : memref<!tpu.dma_semaphore, #tpu.memory_space<semaphore_mem>>) {add = true}
        %dma_wait3A_31 = arith.constant 0 : i32
        %dma_wait3A_32 = arith.constant 0 : i32
        %dma_wait3A_33 = tpu.memref_slice %arg15[%dma_wait3A_31, %dma_wait3A_32] : memref<10240x128xf32, #tpu.memory_space<vmem_shared>> -> memref<10240x128xf32, #tpu.memory_space<vmem_shared>>
        tpu.wait_indirect_dma semaphore(%run_scoped3A : memref<!tpu.dma_semaphore, #tpu.memory_space<semaphore_mem>>) src(%arg11 : memref<128x128xf32, #tpu.memory_space<vmem>>) dst(%dma_wait3A_33 : memref<10240x128xf32, #tpu.memory_space<vmem_shared>>)
        tpu.yield
      }) : () -> ()
    }
    %scan3A_11 = arith.constant 80 : i32
    %barrier3A_12 = arith.constant 0 : index
    tpu.barrier barrier_id(%barrier3A_12)
    %mul3A_13 = arith.constant 640 : i32
    %mul3A_14 = arith.muli %arg1, %mul3A_13 : i32
    %mul3A_15 = arith.constant 10240 : i32
    %mul3A_16 = arith.muli %arg0, %mul3A_15 : i32
    %mul3A_17 = arith.constant 640 : i32
    %mul3A_18 = arith.muli %arg1, %mul3A_17 : i32
    %add3A_19 = arith.addi %mul3A_16, %mul3A_18 : i32
    "tpu.region"() ({
      %run_scoped3A = tpu.sem_alloc : memref<!tpu.dma_semaphore, #tpu.memory_space<semaphore_mem>>
      %dma_start3A = arith.constant 0 : i32
      %dma_start3A_20 = tpu.memref_slice %arg6[%add3A_19, %dma_start3A] : memref<20480x128xf32, #tpu.memory_space<hbm>> -> memref<640x128xf32, #tpu.memory_space<hbm>>
      %dma_start3A_21 = arith.constant 0 : i32
      %dma_start3A_22 = tpu.memref_slice %arg15[%mul3A_14, %dma_start3A_21] : memref<10240x128xf32, #tpu.memory_space<vmem_shared>> -> memref<640x128xf32, #tpu.memory_space<vmem_shared>>
      tpu.enqueue_dma source(%dma_start3A_22 : memref<640x128xf32, #tpu.memory_space<vmem_shared>>) target(%dma_start3A_20 : memref<640x128xf32, #tpu.memory_space<hbm>>) target_semaphore(%run_scoped3A : memref<!tpu.dma_semaphore, #tpu.memory_space<semaphore_mem>>)
      %dma_wait3A = arith.constant 0 : i32
      %dma_wait3A_23 = tpu.memref_slice %arg6[%add3A_19, %dma_wait3A] : memref<20480x128xf32, #tpu.memory_space<hbm>> -> memref<640x128xf32, #tpu.memory_space<hbm>>
      %dma_wait3A_24 = arith.constant 0 : i32
      %dma_wait3A_25 = tpu.memref_slice %arg15[%mul3A_14, %dma_wait3A_24] : memref<10240x128xf32, #tpu.memory_space<vmem_shared>> -> memref<640x128xf32, #tpu.memory_space<vmem_shared>>
      tpu.wait_dma2 semaphore(%run_scoped3A : memref<!tpu.dma_semaphore, #tpu.memory_space<semaphore_mem>>) src(%dma_wait3A_25 : memref<640x128xf32, #tpu.memory_space<vmem_shared>>) dst(%dma_wait3A_23 : memref<640x128xf32, #tpu.memory_space<hbm>>)
      tpu.yield
    }) : () -> ()
    return
  }
}

#map = affine_map<(d0, d1) -> (0)>
#map1 = affine_map<(d0, d1) -> (0, 0)>
module attributes {stable_mosaic.version = 14 : i64} {
  func.func @_gs_kernel(%arg0: i32, %arg1: i32, %arg2: memref<327680xi32, #tpu.memory_space<hbm>>, %arg3: memref<327680xi32, #tpu.memory_space<hbm>>, %arg4: memref<10240x128xf32, #tpu.memory_space<hbm>>, %arg5: memref<10240x128xf32, #tpu.memory_space<hbm>>, %arg6: memref<20480x128xf32, #tpu.memory_space<hbm>>, %arg7: memref<128xi32, #tpu.memory_space<vmem>>, %arg8: memref<128xi32, #tpu.memory_space<vmem>>, %arg9: memref<128xi32, #tpu.memory_space<vmem>>, %arg10: memref<128xi32, #tpu.memory_space<vmem>>, %arg11: memref<128x128xf32, #tpu.memory_space<vmem>>, %arg12: memref<128x128xf32, #tpu.memory_space<vmem>>, %arg13: memref<!tpu.dma_semaphore, #tpu.memory_space<semaphore_mem>>, %arg14: memref<!tpu.dma_semaphore, #tpu.memory_space<semaphore_mem>>, %arg15: memref<10240x128xf32, #tpu.memory_space<vmem_shared>>) attributes {dimension_semantics = [#tpu.dimension_semantics<core_parallel>, #tpu.dimension_semantics<subcore_parallel>], iteration_bounds = array<i64: 2, 16>, scalar_prefetch = 0 : i64, scratch_operands = 9 : i64, tpu.core_type = #tpu.core_type<sc_vector_subcore>, window_params = [{transform_indices = #map}, {transform_indices = #map}, {transform_indices = #map1}, {transform_indices = #map1}, {transform_indices = #map1}]} {
    %mul3A = arith.constant 2 : i32
    %mul3A_0 = arith.muli %arg1, %mul3A : i32
    %add3A = arith.addi %mul3A_0, %arg0 : i32
    %mul3A_1 = arith.constant 10240 : i32
    %mul3A_2 = arith.muli %add3A, %mul3A_1 : i32
    %mul3A_3 = arith.constant 640 : i32
    %mul3A_4 = arith.muli %arg1, %mul3A_3 : i32
    %mul3A_5 = arith.constant 640 : i32
    %mul3A_6 = arith.muli %arg1, %mul3A_5 : i32
    "tpu.region"() ({
      %run_scoped3A = tpu.sem_alloc : memref<!tpu.dma_semaphore, #tpu.memory_space<semaphore_mem>>
      %dma_start3A = arith.constant 0 : i32
      %dma_start3A_20 = tpu.memref_slice %arg15[%mul3A_6, %dma_start3A] : memref<10240x128xf32, #tpu.memory_space<vmem_shared>> -> memref<640x128xf32, #tpu.memory_space<vmem_shared>>
      %dma_start3A_21 = arith.constant 0 : i32
      %dma_start3A_22 = tpu.memref_slice %arg5[%mul3A_4, %dma_start3A_21] : memref<10240x128xf32, #tpu.memory_space<hbm>> -> memref<640x128xf32, #tpu.memory_space<hbm>>
      tpu.enqueue_dma source(%dma_start3A_22 : memref<640x128xf32, #tpu.memory_space<hbm>>) target(%dma_start3A_20 : memref<640x128xf32, #tpu.memory_space<vmem_shared>>) target_semaphore(%run_scoped3A : memref<!tpu.dma_semaphore, #tpu.memory_space<semaphore_mem>>)
      %dma_wait3A = arith.constant 0 : i32
      %dma_wait3A_23 = tpu.memref_slice %arg15[%mul3A_6, %dma_wait3A] : memref<10240x128xf32, #tpu.memory_space<vmem_shared>> -> memref<640x128xf32, #tpu.memory_space<vmem_shared>>
      %dma_wait3A_24 = arith.constant 0 : i32
      %dma_wait3A_25 = tpu.memref_slice %arg5[%mul3A_4, %dma_wait3A_24] : memref<10240x128xf32, #tpu.memory_space<hbm>> -> memref<640x128xf32, #tpu.memory_space<hbm>>
      tpu.wait_dma2 semaphore(%run_scoped3A : memref<!tpu.dma_semaphore, #tpu.memory_space<semaphore_mem>>) src(%dma_wait3A_25 : memref<640x128xf32, #tpu.memory_space<hbm>>) dst(%dma_wait3A_23 : memref<640x128xf32, #tpu.memory_space<vmem_shared>>)
      tpu.yield
    }) : () -> ()
    %barrier3A = arith.constant 0 : index
    tpu.barrier barrier_id(%barrier3A)
    %scan3A = arith.constant 0 : i32
    %scan3A_7 = arith.constant 0 : i32
    %scan3A_8 = arith.constant 80 : i32
    %scan3A_9 = arith.addi %scan3A_7, %scan3A_8 : i32
    %scan3A_10 = arith.constant 1 : i32
    scf.for %scan3A_20 = %scan3A_7 to %scan3A_9 step %scan3A_10  : i32 {
      %mul3A_21 = arith.constant 128 : i32
      %mul3A_22 = arith.muli %scan3A_20, %mul3A_21 : i32
      %add3A_23 = arith.addi %mul3A_2, %mul3A_22 : i32
      "tpu.region"() ({
        %run_scoped3A = tpu.sem_alloc : memref<!tpu.dma_semaphore, #tpu.memory_space<semaphore_mem>>
        %dma_start3A_28 = tpu.memref_slice %arg2[%add3A_23] : memref<327680xi32, #tpu.memory_space<hbm>> -> memref<128xi32, #tpu.memory_space<hbm>>
        %dma_start3A_29 = tpu.memref_slice %arg2[%add3A_23] : memref<327680xi32, #tpu.memory_space<hbm>> -> memref<128xi32, #tpu.memory_space<hbm>>
        tpu.enqueue_dma source(%dma_start3A_29 : memref<128xi32, #tpu.memory_space<hbm>>) target(%arg7 : memref<128xi32, #tpu.memory_space<vmem>>) target_semaphore(%run_scoped3A : memref<!tpu.dma_semaphore, #tpu.memory_space<semaphore_mem>>)
        %dma_wait3A_30 = tpu.memref_slice %arg2[%add3A_23] : memref<327680xi32, #tpu.memory_space<hbm>> -> memref<128xi32, #tpu.memory_space<hbm>>
        %dma_wait3A_31 = tpu.memref_slice %arg2[%add3A_23] : memref<327680xi32, #tpu.memory_space<hbm>> -> memref<128xi32, #tpu.memory_space<hbm>>
        tpu.wait_dma2 semaphore(%run_scoped3A : memref<!tpu.dma_semaphore, #tpu.memory_space<semaphore_mem>>) src(%dma_wait3A_31 : memref<128xi32, #tpu.memory_space<hbm>>) dst(%arg7 : memref<128xi32, #tpu.memory_space<vmem>>)
        tpu.yield
      }) : () -> ()
      "tpu.region"() ({
        %run_scoped3A = tpu.sem_alloc : memref<!tpu.dma_semaphore, #tpu.memory_space<semaphore_mem>>
        %dma_start3A_28 = tpu.memref_slice %arg3[%add3A_23] : memref<327680xi32, #tpu.memory_space<hbm>> -> memref<128xi32, #tpu.memory_space<hbm>>
        %dma_start3A_29 = tpu.memref_slice %arg3[%add3A_23] : memref<327680xi32, #tpu.memory_space<hbm>> -> memref<128xi32, #tpu.memory_space<hbm>>
        tpu.enqueue_dma source(%dma_start3A_29 : memref<128xi32, #tpu.memory_space<hbm>>) target(%arg8 : memref<128xi32, #tpu.memory_space<vmem>>) target_semaphore(%run_scoped3A : memref<!tpu.dma_semaphore, #tpu.memory_space<semaphore_mem>>)
        %dma_wait3A_30 = tpu.memref_slice %arg3[%add3A_23] : memref<327680xi32, #tpu.memory_space<hbm>> -> memref<128xi32, #tpu.memory_space<hbm>>
        %dma_wait3A_31 = tpu.memref_slice %arg3[%add3A_23] : memref<327680xi32, #tpu.memory_space<hbm>> -> memref<128xi32, #tpu.memory_space<hbm>>
        tpu.wait_dma2 semaphore(%run_scoped3A : memref<!tpu.dma_semaphore, #tpu.memory_space<semaphore_mem>>) src(%dma_wait3A_31 : memref<128xi32, #tpu.memory_space<hbm>>) dst(%arg8 : memref<128xi32, #tpu.memory_space<vmem>>)
        tpu.yield
      }) : () -> ()
      %dma_start3A = arith.constant 0 : i32
      %dma_start3A_24 = arith.constant 0 : i32
      %dma_start3A_25 = tpu.memref_slice %arg4[%dma_start3A, %dma_start3A_24] : memref<10240x128xf32, #tpu.memory_space<hbm>> -> memref<10240x128xf32, #tpu.memory_space<hbm>>
      tpu.enqueue_indirect_dma source(%dma_start3A_25 : memref<10240x128xf32, #tpu.memory_space<hbm>>) target(%arg11 : memref<128x128xf32, #tpu.memory_space<vmem>>) offsets(%arg7 : memref<128xi32, #tpu.memory_space<vmem>>) semaphore(%arg13 : memref<!tpu.dma_semaphore, #tpu.memory_space<semaphore_mem>>)
      %dma_wait3A = arith.constant 0 : i32
      %dma_wait3A_26 = arith.constant 0 : i32
      %dma_wait3A_27 = tpu.memref_slice %arg4[%dma_wait3A, %dma_wait3A_26] : memref<10240x128xf32, #tpu.memory_space<hbm>> -> memref<10240x128xf32, #tpu.memory_space<hbm>>
      tpu.wait_indirect_dma semaphore(%arg13 : memref<!tpu.dma_semaphore, #tpu.memory_space<semaphore_mem>>) src(%dma_wait3A_27 : memref<10240x128xf32, #tpu.memory_space<hbm>>) dst(%arg11 : memref<128x128xf32, #tpu.memory_space<vmem>>)
      "tpu.region"() ({
        %run_scoped3A = tpu.sem_alloc : memref<!tpu.dma_semaphore, #tpu.memory_space<semaphore_mem>>
        %dma_start3A_28 = arith.constant 0 : i32
        %dma_start3A_29 = arith.constant 0 : i32
        %dma_start3A_30 = tpu.memref_slice %arg15[%dma_start3A_28, %dma_start3A_29] : memref<10240x128xf32, #tpu.memory_space<vmem_shared>> -> memref<10240x128xf32, #tpu.memory_space<vmem_shared>>
        tpu.enqueue_indirect_dma source(%arg11 : memref<128x128xf32, #tpu.memory_space<vmem>>) target(%dma_start3A_30 : memref<10240x128xf32, #tpu.memory_space<vmem_shared>>) offsets(%arg8 : memref<128xi32, #tpu.memory_space<vmem>>) semaphore(%run_scoped3A : memref<!tpu.dma_semaphore, #tpu.memory_space<semaphore_mem>>) {add = true}
        %dma_wait3A_31 = arith.constant 0 : i32
        %dma_wait3A_32 = arith.constant 0 : i32
        %dma_wait3A_33 = tpu.memref_slice %arg15[%dma_wait3A_31, %dma_wait3A_32] : memref<10240x128xf32, #tpu.memory_space<vmem_shared>> -> memref<10240x128xf32, #tpu.memory_space<vmem_shared>>
        tpu.wait_indirect_dma semaphore(%run_scoped3A : memref<!tpu.dma_semaphore, #tpu.memory_space<semaphore_mem>>) src(%arg11 : memref<128x128xf32, #tpu.memory_space<vmem>>) dst(%dma_wait3A_33 : memref<10240x128xf32, #tpu.memory_space<vmem_shared>>)
        tpu.yield
      }) : () -> ()
    }
    %scan3A_11 = arith.constant 80 : i32
    %barrier3A_12 = arith.constant 0 : index
    tpu.barrier barrier_id(%barrier3A_12)
    %mul3A_13 = arith.constant 640 : i32
    %mul3A_14 = arith.muli %arg1, %mul3A_13 : i32
    %mul3A_15 = arith.constant 10240 : i32
    %mul3A_16 = arith.muli %arg0, %mul3A_15 : i32
    %mul3A_17 = arith.constant 640 : i32
    %mul3A_18 = arith.muli %arg1, %mul3A_17 : i32
    %add3A_19 = arith.addi %mul3A_16, %mul3A_18 : i32
    "tpu.region"() ({
      %run_scoped3A = tpu.sem_alloc : memref<!tpu.dma_semaphore, #tpu.memory_space<semaphore_mem>>
      %dma_start3A = arith.constant 0 : i32
      %dma_start3A_20 = tpu.memref_slice %arg6[%add3A_19, %dma_start3A] : memref<20480x128xf32, #tpu.memory_space<hbm>> -> memref<640x128xf32, #tpu.memory_space<hbm>>
      %dma_start3A_21 = arith.constant 0 : i32
      %dma_start3A_22 = tpu.memref_slice %arg15[%mul3A_14, %dma_start3A_21] : memref<10240x128xf32, #tpu.memory_space<vmem_shared>> -> memref<640x128xf32, #tpu.memory_space<vmem_shared>>
      tpu.enqueue_dma source(%dma_start3A_22 : memref<640x128xf32, #tpu.memory_space<vmem_shared>>) target(%dma_start3A_20 : memref<640x128xf32, #tpu.memory_space<hbm>>) target_semaphore(%run_scoped3A : memref<!tpu.dma_semaphore, #tpu.memory_space<semaphore_mem>>)
      %dma_wait3A = arith.constant 0 : i32
      %dma_wait3A_23 = tpu.memref_slice %arg6[%add3A_19, %dma_wait3A] : memref<20480x128xf32, #tpu.memory_space<hbm>> -> memref<640x128xf32, #tpu.memory_space<hbm>>
      %dma_wait3A_24 = arith.constant 0 : i32
      %dma_wait3A_25 = tpu.memref_slice %arg15[%mul3A_14, %dma_wait3A_24] : memref<10240x128xf32, #tpu.memory_space<vmem_shared>> -> memref<640x128xf32, #tpu.memory_space<vmem_shared>>
      tpu.wait_dma2 semaphore(%run_scoped3A : memref<!tpu.dma_semaphore, #tpu.memory_space<semaphore_mem>>) src(%dma_wait3A_25 : memref<640x128xf32, #tpu.memory_space<vmem_shared>>) dst(%dma_wait3A_23 : memref<640x128xf32, #tpu.memory_space<hbm>>)
      tpu.yield
    }) : () -> ()
    return
  }
}

#map = affine_map<(d0, d1) -> (0, 0)>
#map1 = affine_map<(d0, d1) -> (0)>
module attributes {stable_mosaic.version = 14 : i64} {
  func.func @_pool_kernel(%arg0: i32, %arg1: i32, %arg2: memref<10240x128xf32, #tpu.memory_space<hbm>>, %arg3: memref<5120xi32, #tpu.memory_space<hbm>>, %arg4: memref<10240xi32, #tpu.memory_space<hbm>>, %arg5: memref<10240x128xf32, #tpu.memory_space<hbm>>, %arg6: memref<10240xf32, #tpu.memory_space<hbm>>, %arg7: memref<160x128xf32, #tpu.memory_space<hbm>>, %arg8: memref<256xf32, #tpu.memory_space<hbm>>, %arg9: memref<80xi32, #tpu.memory_space<vmem>>, %arg10: memref<80xi32, #tpu.memory_space<vmem>>, %arg11: memref<80x128xf32, #tpu.memory_space<vmem>>, %arg12: memref<80xf32, #tpu.memory_space<vmem>>, %arg13: memref<!tpu.dma_semaphore, #tpu.memory_space<semaphore_mem>>, %arg14: memref<80x128xf32, #tpu.memory_space<vmem_shared>>, %arg15: memref<128xf32, #tpu.memory_space<vmem_shared>>) attributes {dimension_semantics = [#tpu.dimension_semantics<core_parallel>, #tpu.dimension_semantics<subcore_parallel>], iteration_bounds = array<i64: 2, 16>, scalar_prefetch = 0 : i64, scratch_operands = 7 : i64, tpu.core_type = #tpu.core_type<sc_vector_subcore>, window_params = [{transform_indices = #map}, {transform_indices = #map1}, {transform_indices = #map1}, {transform_indices = #map}, {transform_indices = #map1}, {transform_indices = #map}, {transform_indices = #map1}]} {
    %mul3A = arith.constant 2 : i32
    %mul3A_0 = arith.muli %arg1, %mul3A : i32
    %add3A = arith.addi %mul3A_0, %arg0 : i32
    %scan3A = arith.constant 0 : i32
    %scan3A_1 = arith.constant 0 : i32
    %scan3A_2 = arith.constant 5 : i32
    %scan3A_3 = arith.addi %scan3A_1, %scan3A_2 : i32
    %scan3A_4 = arith.constant 1 : i32
    scf.for %scan3A_31 = %scan3A_1 to %scan3A_3 step %scan3A_4  : i32 {
      %broadcast_in_dim3A = arith.constant 1.000000e+00 : f32
      %broadcast_in_dim3A_32 = vector.broadcast %broadcast_in_dim3A : f32 to vector<16xf32>
      %mul3A_33 = arith.constant 16 : i32
      %mul3A_34 = arith.muli %scan3A_31, %mul3A_33 : i32
      %swap3A = arith.index_cast %mul3A_34 : i32 to index
      %swap3A_35 = tpu.vector_load %arg12[%swap3A] {strides = array<i32>} : memref<80xf32, #tpu.memory_space<vmem>>, vector<16xf32>,
      %swap3A_36 = vector.shape_cast %swap3A_35 : vector<16xf32> to vector<16xf32>
      %swap3A_37 = vector.shape_cast %broadcast_in_dim3A_32 : vector<16xf32> to vector<16xf32>
      tpu.vector_store %arg12[%swap3A], %swap3A_37 {strides = array<i32>} : memref<80xf32, #tpu.memory_space<vmem>>, vector<16xf32>,
    }
    %scan3A_5 = arith.constant 5 : i32
    %lt3A = arith.constant 10 : i32
    %lt3A_6 = arith.cmpi slt, %arg1, %lt3A : i32
    %convert_element_type3A = arith.extui %lt3A_6 : i1 to i32
    %cond3A = arith.constant 0 : i32
    %cond3A_7 = arith.cmpi ne, %convert_element_type3A, %cond3A : i32
    scf.if %cond3A_7 {
      %mul3A_31 = arith.constant 8 : i32
      %mul3A_32 = arith.muli %arg1, %mul3A_31 : i32
      %mul3A_33 = arith.constant 8 : i32
      %mul3A_34 = arith.muli %arg1, %mul3A_33 : i32
      "tpu.region"() ({
        %run_scoped3A = tpu.sem_alloc : memref<!tpu.dma_semaphore, #tpu.memory_space<semaphore_mem>>
        %dma_start3A = arith.constant 0 : i32
        %dma_start3A_35 = tpu.memref_slice %arg14[%mul3A_34, %dma_start3A] : memref<80x128xf32, #tpu.memory_space<vmem_shared>> -> memref<8x128xf32, #tpu.memory_space<vmem_shared>>
        %dma_start3A_36 = arith.constant 0 : i32
        %dma_start3A_37 = tpu.memref_slice %arg5[%mul3A_32, %dma_start3A_36] : memref<10240x128xf32, #tpu.memory_space<hbm>> -> memref<8x128xf32, #tpu.memory_space<hbm>>
        tpu.enqueue_dma source(%dma_start3A_37 : memref<8x128xf32, #tpu.memory_space<hbm>>) target(%dma_start3A_35 : memref<8x128xf32, #tpu.memory_space<vmem_shared>>) target_semaphore(%run_scoped3A : memref<!tpu.dma_semaphore, #tpu.memory_space<semaphore_mem>>)
        %dma_wait3A = arith.constant 0 : i32
        %dma_wait3A_38 = tpu.memref_slice %arg14[%mul3A_34, %dma_wait3A] : memref<80x128xf32, #tpu.memory_space<vmem_shared>> -> memref<8x128xf32, #tpu.memory_space<vmem_shared>>
        %dma_wait3A_39 = arith.constant 0 : i32
        %dma_wait3A_40 = tpu.memref_slice %arg5[%mul3A_32, %dma_wait3A_39] : memref<10240x128xf32, #tpu.memory_space<hbm>> -> memref<8x128xf32, #tpu.memory_space<hbm>>
        tpu.wait_dma2 semaphore(%run_scoped3A : memref<!tpu.dma_semaphore, #tpu.memory_space<semaphore_mem>>) src(%dma_wait3A_40 : memref<8x128xf32, #tpu.memory_space<hbm>>) dst(%dma_wait3A_38 : memref<8x128xf32, #tpu.memory_space<vmem_shared>>)
        tpu.yield
      }) : () -> ()
    } else {
    }
    %eq3A = arith.constant 0 : i32
    %eq3A_8 = arith.cmpi eq, %arg1, %eq3A : i32
    %convert_element_type3A_9 = arith.extui %eq3A_8 : i1 to i32
    %cond3A_10 = arith.constant 0 : i32
    %cond3A_11 = arith.cmpi ne, %convert_element_type3A_9, %cond3A_10 : i32
    scf.if %cond3A_11 {
      "tpu.region"() ({
        %run_scoped3A = tpu.sem_alloc : memref<!tpu.dma_semaphore, #tpu.memory_space<semaphore_mem>>
        %dma_start3A = arith.constant 0 : i32
        %dma_start3A_31 = tpu.memref_slice %arg6[%dma_start3A] : memref<10240xf32, #tpu.memory_space<hbm>> -> memref<128xf32, #tpu.memory_space<hbm>>
        tpu.enqueue_dma source(%dma_start3A_31 : memref<128xf32, #tpu.memory_space<hbm>>) target(%arg15 : memref<128xf32, #tpu.memory_space<vmem_shared>>) target_semaphore(%run_scoped3A : memref<!tpu.dma_semaphore, #tpu.memory_space<semaphore_mem>>)
        %dma_wait3A = arith.constant 0 : i32
        %dma_wait3A_32 = tpu.memref_slice %arg6[%dma_wait3A] : memref<10240xf32, #tpu.memory_space<hbm>> -> memref<128xf32, #tpu.memory_space<hbm>>
        tpu.wait_dma2 semaphore(%run_scoped3A : memref<!tpu.dma_semaphore, #tpu.memory_space<semaphore_mem>>) src(%dma_wait3A_32 : memref<128xf32, #tpu.memory_space<hbm>>) dst(%arg15 : memref<128xf32, #tpu.memory_space<vmem_shared>>)
        tpu.yield
      }) : () -> ()
    } else {
    }
    %barrier3A = arith.constant 0 : index
    tpu.barrier barrier_id(%barrier3A)
    %mul3A_12 = arith.constant 160 : i32
    %mul3A_13 = arith.muli %add3A, %mul3A_12 : i32
    %scan3A_14 = arith.constant 0 : i32
    %scan3A_15 = arith.constant 0 : i32
    %scan3A_16 = arith.constant 2 : i32
    %scan3A_17 = arith.addi %scan3A_15, %scan3A_16 : i32
    %scan3A_18 = arith.constant 1 : i32
    scf.for %scan3A_31 = %scan3A_15 to %scan3A_17 step %scan3A_18  : i32 {
      %mul3A_32 = arith.constant 80 : i32
      %mul3A_33 = arith.muli %scan3A_31, %mul3A_32 : i32
      %add3A_34 = arith.addi %mul3A_13, %mul3A_33 : i32
      "tpu.region"() ({
        %run_scoped3A = tpu.sem_alloc : memref<!tpu.dma_semaphore, #tpu.memory_space<semaphore_mem>>
        %dma_start3A_43 = tpu.memref_slice %arg3[%add3A_34] : memref<5120xi32, #tpu.memory_space<hbm>> -> memref<80xi32, #tpu.memory_space<hbm>>
        %dma_start3A_44 = tpu.memref_slice %arg3[%add3A_34] : memref<5120xi32, #tpu.memory_space<hbm>> -> memref<80xi32, #tpu.memory_space<hbm>>
        tpu.enqueue_dma source(%dma_start3A_44 : memref<80xi32, #tpu.memory_space<hbm>>) target(%arg9 : memref<80xi32, #tpu.memory_space<vmem>>) target_semaphore(%run_scoped3A : memref<!tpu.dma_semaphore, #tpu.memory_space<semaphore_mem>>)
        %dma_wait3A_45 = tpu.memref_slice %arg3[%add3A_34] : memref<5120xi32, #tpu.memory_space<hbm>> -> memref<80xi32, #tpu.memory_space<hbm>>
        %dma_wait3A_46 = tpu.memref_slice %arg3[%add3A_34] : memref<5120xi32, #tpu.memory_space<hbm>> -> memref<80xi32, #tpu.memory_space<hbm>>
        tpu.wait_dma2 semaphore(%run_scoped3A : memref<!tpu.dma_semaphore, #tpu.memory_space<semaphore_mem>>) src(%dma_wait3A_46 : memref<80xi32, #tpu.memory_space<hbm>>) dst(%arg9 : memref<80xi32, #tpu.memory_space<vmem>>)
        tpu.yield
      }) : () -> ()
      %dma_start3A = arith.constant 0 : i32
      %dma_start3A_35 = tpu.memref_slice %arg4[%dma_start3A] : memref<10240xi32, #tpu.memory_space<hbm>> -> memref<10240xi32, #tpu.memory_space<hbm>>
      tpu.enqueue_indirect_dma source(%dma_start3A_35 : memref<10240xi32, #tpu.memory_space<hbm>>) target(%arg10 : memref<80xi32, #tpu.memory_space<vmem>>) offsets(%arg9 : memref<80xi32, #tpu.memory_space<vmem>>) semaphore(%arg13 : memref<!tpu.dma_semaphore, #tpu.memory_space<semaphore_mem>>)
      %dma_wait3A = arith.constant 0 : i32
      %dma_wait3A_36 = tpu.memref_slice %arg4[%dma_wait3A] : memref<10240xi32, #tpu.memory_space<hbm>> -> memref<10240xi32, #tpu.memory_space<hbm>>
      tpu.wait_indirect_dma semaphore(%arg13 : memref<!tpu.dma_semaphore, #tpu.memory_space<semaphore_mem>>) src(%dma_wait3A_36 : memref<10240xi32, #tpu.memory_space<hbm>>) dst(%arg10 : memref<80xi32, #tpu.memory_space<vmem>>)
      %dma_start3A_37 = arith.constant 0 : i32
      %dma_start3A_38 = arith.constant 0 : i32
      %dma_start3A_39 = tpu.memref_slice %arg2[%dma_start3A_37, %dma_start3A_38] : memref<10240x128xf32, #tpu.memory_space<hbm>> -> memref<10240x128xf32, #tpu.memory_space<hbm>>
      tpu.enqueue_indirect_dma source(%dma_start3A_39 : memref<10240x128xf32, #tpu.memory_space<hbm>>) target(%arg11 : memref<80x128xf32, #tpu.memory_space<vmem>>) offsets(%arg9 : memref<80xi32, #tpu.memory_space<vmem>>) semaphore(%arg13 : memref<!tpu.dma_semaphore, #tpu.memory_space<semaphore_mem>>)
      %dma_wait3A_40 = arith.constant 0 : i32
      %dma_wait3A_41 = arith.constant 0 : i32
      %dma_wait3A_42 = tpu.memref_slice %arg2[%dma_wait3A_40, %dma_wait3A_41] : memref<10240x128xf32, #tpu.memory_space<hbm>> -> memref<10240x128xf32, #tpu.memory_space<hbm>>
      tpu.wait_indirect_dma semaphore(%arg13 : memref<!tpu.dma_semaphore, #tpu.memory_space<semaphore_mem>>) src(%dma_wait3A_42 : memref<10240x128xf32, #tpu.memory_space<hbm>>) dst(%arg11 : memref<80x128xf32, #tpu.memory_space<vmem>>)
      "tpu.region"() ({
        %run_scoped3A = tpu.sem_alloc : memref<!tpu.dma_semaphore, #tpu.memory_space<semaphore_mem>>
        %dma_start3A_43 = arith.constant 0 : i32
        %dma_start3A_44 = arith.constant 0 : i32
        %dma_start3A_45 = tpu.memref_slice %arg14[%dma_start3A_43, %dma_start3A_44] : memref<80x128xf32, #tpu.memory_space<vmem_shared>> -> memref<80x128xf32, #tpu.memory_space<vmem_shared>>
        tpu.enqueue_indirect_dma source(%arg11 : memref<80x128xf32, #tpu.memory_space<vmem>>) target(%dma_start3A_45 : memref<80x128xf32, #tpu.memory_space<vmem_shared>>) offsets(%arg10 : memref<80xi32, #tpu.memory_space<vmem>>) semaphore(%run_scoped3A : memref<!tpu.dma_semaphore, #tpu.memory_space<semaphore_mem>>) {add = true}
        %dma_wait3A_46 = arith.constant 0 : i32
        %dma_wait3A_47 = arith.constant 0 : i32
        %dma_wait3A_48 = tpu.memref_slice %arg14[%dma_wait3A_46, %dma_wait3A_47] : memref<80x128xf32, #tpu.memory_space<vmem_shared>> -> memref<80x128xf32, #tpu.memory_space<vmem_shared>>
        tpu.wait_indirect_dma semaphore(%run_scoped3A : memref<!tpu.dma_semaphore, #tpu.memory_space<semaphore_mem>>) src(%arg11 : memref<80x128xf32, #tpu.memory_space<vmem>>) dst(%dma_wait3A_48 : memref<80x128xf32, #tpu.memory_space<vmem_shared>>)
        tpu.yield
      }) : () -> ()
      "tpu.region"() ({
        %run_scoped3A = tpu.sem_alloc : memref<!tpu.dma_semaphore, #tpu.memory_space<semaphore_mem>>
        %dma_start3A_43 = arith.constant 0 : i32
        %dma_start3A_44 = tpu.memref_slice %arg15[%dma_start3A_43] : memref<128xf32, #tpu.memory_space<vmem_shared>> -> memref<128xf32, #tpu.memory_space<vmem_shared>>
        tpu.enqueue_indirect_dma source(%arg12 : memref<80xf32, #tpu.memory_space<vmem>>) target(%dma_start3A_44 : memref<128xf32, #tpu.memory_space<vmem_shared>>) offsets(%arg10 : memref<80xi32, #tpu.memory_space<vmem>>) semaphore(%run_scoped3A : memref<!tpu.dma_semaphore, #tpu.memory_space<semaphore_mem>>) {add = true}
        %dma_wait3A_45 = arith.constant 0 : i32
        %dma_wait3A_46 = tpu.memref_slice %arg15[%dma_wait3A_45] : memref<128xf32, #tpu.memory_space<vmem_shared>> -> memref<128xf32, #tpu.memory_space<vmem_shared>>
        tpu.wait_indirect_dma semaphore(%run_scoped3A : memref<!tpu.dma_semaphore, #tpu.memory_space<semaphore_mem>>) src(%arg12 : memref<80xf32, #tpu.memory_space<vmem>>) dst(%dma_wait3A_46 : memref<128xf32, #tpu.memory_space<vmem_shared>>)
        tpu.yield
      }) : () -> ()
    }
    %scan3A_19 = arith.constant 2 : i32
    %barrier3A_20 = arith.constant 0 : index
    tpu.barrier barrier_id(%barrier3A_20)
    %lt3A_21 = arith.constant 10 : i32
    %lt3A_22 = arith.cmpi slt, %arg1, %lt3A_21 : i32
    %convert_element_type3A_23 = arith.extui %lt3A_22 : i1 to i32
    %cond3A_24 = arith.constant 0 : i32
    %cond3A_25 = arith.cmpi ne, %convert_element_type3A_23, %cond3A_24 : i32
    scf.if %cond3A_25 {
      %mul3A_31 = arith.constant 8 : i32
      %mul3A_32 = arith.muli %arg1, %mul3A_31 : i32
      %mul3A_33 = arith.constant 80 : i32
      %mul3A_34 = arith.muli %arg0, %mul3A_33 : i32
      %mul3A_35 = arith.constant 8 : i32
      %mul3A_36 = arith.muli %arg1, %mul3A_35 : i32
      %add3A_37 = arith.addi %mul3A_34, %mul3A_36 : i32
      "tpu.region"() ({
        %run_scoped3A = tpu.sem_alloc : memref<!tpu.dma_semaphore, #tpu.memory_space<semaphore_mem>>
        %dma_start3A = arith.constant 0 : i32
        %dma_start3A_38 = tpu.memref_slice %arg7[%add3A_37, %dma_start3A] : memref<160x128xf32, #tpu.memory_space<hbm>> -> memref<8x128xf32, #tpu.memory_space<hbm>>
        %dma_start3A_39 = arith.constant 0 : i32
        %dma_start3A_40 = tpu.memref_slice %arg14[%mul3A_32, %dma_start3A_39] : memref<80x128xf32, #tpu.memory_space<vmem_shared>> -> memref<8x128xf32, #tpu.memory_space<vmem_shared>>
        tpu.enqueue_dma source(%dma_start3A_40 : memref<8x128xf32, #tpu.memory_space<vmem_shared>>) target(%dma_start3A_38 : memref<8x128xf32, #tpu.memory_space<hbm>>) target_semaphore(%run_scoped3A : memref<!tpu.dma_semaphore, #tpu.memory_space<semaphore_mem>>)
        %dma_wait3A = arith.constant 0 : i32
        %dma_wait3A_41 = tpu.memref_slice %arg7[%add3A_37, %dma_wait3A] : memref<160x128xf32, #tpu.memory_space<hbm>> -> memref<8x128xf32, #tpu.memory_space<hbm>>
        %dma_wait3A_42 = arith.constant 0 : i32
        %dma_wait3A_43 = tpu.memref_slice %arg14[%mul3A_32, %dma_wait3A_42] : memref<80x128xf32, #tpu.memory_space<vmem_shared>> -> memref<8x128xf32, #tpu.memory_space<vmem_shared>>
        tpu.wait_dma2 semaphore(%run_scoped3A : memref<!tpu.dma_semaphore, #tpu.memory_space<semaphore_mem>>) src(%dma_wait3A_43 : memref<8x128xf32, #tpu.memory_space<vmem_shared>>) dst(%dma_wait3A_41 : memref<8x128xf32, #tpu.memory_space<hbm>>)
        tpu.yield
      }) : () -> ()
    } else {
    }
    %eq3A_26 = arith.constant 0 : i32
    %eq3A_27 = arith.cmpi eq, %arg1, %eq3A_26 : i32
    %convert_element_type3A_28 = arith.extui %eq3A_27 : i1 to i32
    %cond3A_29 = arith.constant 0 : i32
    %cond3A_30 = arith.cmpi ne, %convert_element_type3A_28, %cond3A_29 : i32
    scf.if %cond3A_30 {
      %mul3A_31 = arith.constant 128 : i32
      %mul3A_32 = arith.muli %arg0, %mul3A_31 : i32
      "tpu.region"() ({
        %run_scoped3A = tpu.sem_alloc : memref<!tpu.dma_semaphore, #tpu.memory_space<semaphore_mem>>
        %dma_start3A = tpu.memref_slice %arg8[%mul3A_32] : memref<256xf32, #tpu.memory_space<hbm>> -> memref<128xf32, #tpu.memory_space<hbm>>
        tpu.enqueue_dma source(%arg15 : memref<128xf32, #tpu.memory_space<vmem_shared>>) target(%dma_start3A : memref<128xf32, #tpu.memory_space<hbm>>) target_semaphore(%run_scoped3A : memref<!tpu.dma_semaphore, #tpu.memory_space<semaphore_mem>>)
        %dma_wait3A = tpu.memref_slice %arg8[%mul3A_32] : memref<256xf32, #tpu.memory_space<hbm>> -> memref<128xf32, #tpu.memory_space<hbm>>
        tpu.wait_dma2 semaphore(%run_scoped3A : memref<!tpu.dma_semaphore, #tpu.memory_space<semaphore_mem>>) src(%arg15 : memref<128xf32, #tpu.memory_space<vmem_shared>>) dst(%dma_wait3A : memref<128xf32, #tpu.memory_space<hbm>>)
        tpu.yield
      }) : () -> ()
    } else {
    }
    return
  }
}

module attributes {stable_mosaic.version = 14 : i64} {
  func.func @_mm1_body(%arg0: i32, %arg1: memref<1024x128xf32, #tpu.memory_space<vmem>>, %arg2: memref<128x128xf32, #tpu.memory_space<vmem>>, %arg3: memref<1024x1xf32, #tpu.memory_space<vmem>>, %arg4: memref<1024x1xf32, #tpu.memory_space<vmem>>, %arg5: memref<1024x128xf32, #tpu.memory_space<vmem>>, %arg6: memref<1024x1xf32, #tpu.memory_space<vmem>>) attributes {dimension_semantics = [#tpu.dimension_semantics<arbitrary>], iteration_bounds = array<i64: 10>, scalar_prefetch = 0 : i64, scratch_operands = 0 : i64, tpu.core_type = #tpu.core_type<tc>, window_params = [{transform_indices = @transform_0, window_bounds = array<i64: 1024, 128>}, {pipeline_mode = #tpu.pipeline_mode<synchronous>, transform_indices = @transform_1, window_bounds = array<i64: 128, 128>}, {transform_indices = @transform_2, window_bounds = array<i64: 1024, 1>}, {transform_indices = @transform_3, window_bounds = array<i64: 1024, 1>}, {transform_indices = @transform_4, window_bounds = array<i64: 1024, 128>}, {transform_indices = @transform_5, window_bounds = array<i64: 1024, 1>}]} {
    %get3A = arith.constant 0 : index
    %get3A_0 = arith.constant 0 : index
    %get3A_1 = vector.load %arg3[%get3A, %get3A_0] : memref<1024x1xf32, #tpu.memory_space<vmem>>, vector<1024x1xf32>
    %add3A = arith.constant 1.000000e+00 : f32
    %add3A_2 = vector.broadcast %add3A : f32 to vector<1024x1xf32>
    %add3A_3 = arith.addf %add3A_2, %get3A_1 : vector<1024x1xf32>
    %get3A_4 = arith.constant 0 : index
    %get3A_5 = arith.constant 0 : index
    %get3A_6 = vector.load %arg4[%get3A_4, %get3A_5] : memref<1024x1xf32, #tpu.memory_space<vmem>>, vector<1024x1xf32>
    %add3A_7 = arith.addf %add3A_3, %get3A_6 : vector<1024x1xf32>
    %rsqrt3A = math.rsqrt %add3A_7 : vector<1024x1xf32>
    %get3A_8 = arith.constant 0 : index
    %get3A_9 = arith.constant 0 : index
    %get3A_10 = vector.load %arg1[%get3A_8, %get3A_9] : memref<1024x128xf32, #tpu.memory_space<vmem>>, vector<1024x128xf32>
    %get3A_11 = arith.constant 0 : index
    %get3A_12 = arith.constant 0 : index
    %get3A_13 = vector.load %arg2[%get3A_11, %get3A_12] : memref<128x128xf32, #tpu.memory_space<vmem>>, vector<128x128xf32>
    %dot_general3A = arith.constant dense<0.000000e+00> : vector<1024x128xf32>
    %dot_general3A_14 = tpu.matmul %get3A_10, %get3A_13, %dot_general3A {dimension_numbers = #tpu.dot_dimension_numbers<[1], [0], [0], [1], [0, 0, 1, 1], [], []>, transpose_lhs_hint = false} : vector<1024x128xf32>, vector<128x128xf32>, vector<1024x128xf32> -> vector<1024x128xf32>
    %mul3A = vector.broadcast %rsqrt3A : vector<1024x1xf32> to vector<1024x128xf32>
    %mul3A_15 = arith.mulf %dot_general3A_14, %mul3A : vector<1024x128xf32>
    %swap3A = arith.constant 0 : index
    %swap3A_16 = arith.constant 0 : index
    %swap3A_17 = vector.load %arg5[%swap3A, %swap3A_16] : memref<1024x128xf32, #tpu.memory_space<vmem>>, vector<1024x128xf32>
    tpu.vector_store %arg5[%swap3A, %swap3A_16], %mul3A_15 {strides = array<i32>} : memref<1024x128xf32, #tpu.memory_space<vmem>>, vector<1024x128xf32>,
    %swap3A_18 = arith.constant 0 : index
    %swap3A_19 = arith.constant 0 : index
    %swap3A_20 = vector.load %arg6[%swap3A_18, %swap3A_19] : memref<1024x1xf32, #tpu.memory_space<vmem>>, vector<1024x1xf32>
    tpu.vector_store %arg6[%swap3A_18, %swap3A_19], %rsqrt3A {strides = array<i32>} : memref<1024x1xf32, #tpu.memory_space<vmem>>, vector<1024x1xf32>,
    return
  }
  func.func @transform_0(%arg0: i32) -> (i32, i32) {
    %c0_i32 = arith.constant 0 : i32
    %c0_i32_0 = arith.constant 0 : i32
    return %arg0, %c0_i32 : i32, i32
  }
  func.func @transform_1(%arg0: i32) -> (i32, i32) {
    %c0_i32 = arith.constant 0 : i32
    %c0_i32_0 = arith.constant 0 : i32
    %c0_i32_1 = arith.constant 0 : i32
    return %c0_i32, %c0_i32_0 : i32, i32
  }
  func.func @transform_2(%arg0: i32) -> (i32, i32) {
    %c0_i32 = arith.constant 0 : i32
    %c0_i32_0 = arith.constant 0 : i32
    return %arg0, %c0_i32 : i32, i32
  }
  func.func @transform_3(%arg0: i32) -> (i32, i32) {
    %c0_i32 = arith.constant 0 : i32
    %c0_i32_0 = arith.constant 0 : i32
    return %arg0, %c0_i32 : i32, i32
  }
  func.func @transform_4(%arg0: i32) -> (i32, i32) {
    %c0_i32 = arith.constant 0 : i32
    %c0_i32_0 = arith.constant 0 : i32
    return %arg0, %c0_i32 : i32, i32
  }
  func.func @transform_5(%arg0: i32) -> (i32, i32) {
    %c0_i32 = arith.constant 0 : i32
    %c0_i32_0 = arith.constant 0 : i32
    return %arg0, %c0_i32 : i32, i32
  }
}

module attributes {stable_mosaic.version = 14 : i64} {
  func.func @_mid_body(%arg0: i32, %arg1: memref<2x1024x128xf32, #tpu.memory_space<vmem>>, %arg2: memref<1024x128xf32, #tpu.memory_space<vmem>>, %arg3: memref<1024x1xf32, #tpu.memory_space<vmem>>, %arg4: memref<1x128xf32, #tpu.memory_space<vmem>>, %arg5: memref<128x128xf32, #tpu.memory_space<vmem>>, %arg6: memref<1024x128xf32, #tpu.memory_space<vmem>>) attributes {dimension_semantics = [#tpu.dimension_semantics<arbitrary>], iteration_bounds = array<i64: 10>, scalar_prefetch = 0 : i64, scratch_operands = 0 : i64, tpu.core_type = #tpu.core_type<tc>, window_params = [{transform_indices = @transform_0, window_bounds = array<i64: 2, 1024, 128>}, {transform_indices = @transform_1, window_bounds = array<i64: 1024, 128>}, {transform_indices = @transform_2, window_bounds = array<i64: 1024, 1>}, {pipeline_mode = #tpu.pipeline_mode<synchronous>, transform_indices = @transform_3, window_bounds = array<i64: 1, 128>}, {pipeline_mode = #tpu.pipeline_mode<synchronous>, transform_indices = @transform_4, window_bounds = array<i64: 128, 128>}, {transform_indices = @transform_5, window_bounds = array<i64: 1024, 128>}]} {
    %get3A = arith.constant 0 : index
    %get3A_0 = arith.constant 0 : index
    %get3A_1 = vector.load %arg3[%get3A, %get3A_0] : memref<1024x1xf32, #tpu.memory_space<vmem>>, vector<1024x1xf32>
    %get3A_2 = arith.constant 0 : index
    %get3A_3 = arith.constant 0 : index
    %get3A_4 = arith.constant 0 : index
    %get3A_5 = vector.load %arg1[%get3A_2, %get3A_3, %get3A_4] : memref<2x1024x128xf32, #tpu.memory_space<vmem>>, vector<1x1024x128xf32>
    %get3A_6 = vector.shape_cast %get3A_5 : vector<1x1024x128xf32> to vector<1024x128xf32>
    %get3A_7 = arith.constant 1 : index
    %get3A_8 = arith.constant 0 : index
    %get3A_9 = arith.constant 0 : index
    %get3A_10 = vector.load %arg1[%get3A_7, %get3A_8, %get3A_9] : memref<2x1024x128xf32, #tpu.memory_space<vmem>>, vector<1x1024x128xf32>
    %get3A_11 = vector.shape_cast %get3A_10 : vector<1x1024x128xf32> to vector<1024x128xf32>
    %add3A = arith.addf %get3A_6, %get3A_11 : vector<1024x128xf32>
    %get3A_12 = arith.constant 0 : index
    %get3A_13 = arith.constant 0 : index
    %get3A_14 = vector.load %arg2[%get3A_12, %get3A_13] : memref<1024x128xf32, #tpu.memory_space<vmem>>, vector<1024x128xf32>
    %add3A_15 = arith.addf %add3A, %get3A_14 : vector<1024x128xf32>
    %mul3A = vector.broadcast %get3A_1 : vector<1024x1xf32> to vector<1024x128xf32>
    %mul3A_16 = arith.mulf %add3A_15, %mul3A : vector<1024x128xf32>
    %get3A_17 = arith.constant 0 : index
    %get3A_18 = arith.constant 0 : index
    %get3A_19 = vector.load %arg4[%get3A_17, %get3A_18] : memref<1x128xf32, #tpu.memory_space<vmem>>, vector<1x128xf32>
    %add3A_20 = vector.broadcast %get3A_19 : vector<1x128xf32> to vector<1024x128xf32>
    %add3A_21 = arith.addf %mul3A_16, %add3A_20 : vector<1024x128xf32>
    %max3A = arith.constant 0.000000e+00 : f32
    %max3A_22 = vector.broadcast %max3A : f32 to vector<1024x128xf32>
    %max3A_23 = arith.maximumf %add3A_21, %max3A_22 : vector<1024x128xf32>
    %get3A_24 = arith.constant 0 : index
    %get3A_25 = arith.constant 0 : index
    %get3A_26 = vector.load %arg5[%get3A_24, %get3A_25] : memref<128x128xf32, #tpu.memory_space<vmem>>, vector<128x128xf32>
    %dot_general3A = arith.constant dense<0.000000e+00> : vector<1024x128xf32>
    %dot_general3A_27 = tpu.matmul %max3A_23, %get3A_26, %dot_general3A {dimension_numbers = #tpu.dot_dimension_numbers<[1], [0], [0], [1], [0, 0, 1, 1], [], []>, transpose_lhs_hint = false} : vector<1024x128xf32>, vector<128x128xf32>, vector<1024x128xf32> -> vector<1024x128xf32>
    %mul3A_28 = vector.broadcast %get3A_1 : vector<1024x1xf32> to vector<1024x128xf32>
    %mul3A_29 = arith.mulf %dot_general3A_27, %mul3A_28 : vector<1024x128xf32>
    %swap3A = arith.constant 0 : index
    %swap3A_30 = arith.constant 0 : index
    %swap3A_31 = vector.load %arg6[%swap3A, %swap3A_30] : memref<1024x128xf32, #tpu.memory_space<vmem>>, vector<1024x128xf32>
    tpu.vector_store %arg6[%swap3A, %swap3A_30], %mul3A_29 {strides = array<i32>} : memref<1024x128xf32, #tpu.memory_space<vmem>>, vector<1024x128xf32>,
    return
  }
  func.func @transform_0(%arg0: i32) -> (i32, i32, i32) {
    %c0_i32 = arith.constant 0 : i32
    %c0_i32_0 = arith.constant 0 : i32
    %c0_i32_1 = arith.constant 0 : i32
    return %c0_i32, %arg0, %c0_i32_0 : i32, i32, i32
  }
  func.func @transform_1(%arg0: i32) -> (i32, i32) {
    %c0_i32 = arith.constant 0 : i32
    %c0_i32_0 = arith.constant 0 : i32
    return %arg0, %c0_i32 : i32, i32
  }
  func.func @transform_2(%arg0: i32) -> (i32, i32) {
    %c0_i32 = arith.constant 0 : i32
    %c0_i32_0 = arith.constant 0 : i32
    return %arg0, %c0_i32 : i32, i32
  }
  func.func @transform_3(%arg0: i32) -> (i32, i32) {
    %c0_i32 = arith.constant 0 : i32
    %c0_i32_0 = arith.constant 0 : i32
    %c0_i32_1 = arith.constant 0 : i32
    return %c0_i32, %c0_i32_0 : i32, i32
  }
  func.func @transform_4(%arg0: i32) -> (i32, i32) {
    %c0_i32 = arith.constant 0 : i32
    %c0_i32_0 = arith.constant 0 : i32
    %c0_i32_1 = arith.constant 0 : i32
    return %c0_i32, %c0_i32_0 : i32, i32
  }
  func.func @transform_5(%arg0: i32) -> (i32, i32) {
    %c0_i32 = arith.constant 0 : i32
    %c0_i32_0 = arith.constant 0 : i32
    return %arg0, %c0_i32 : i32, i32
  }
}

module attributes {stable_mosaic.version = 14 : i64} {
  func.func @_post_body(%arg0: i32, %arg1: memref<2x1024x128xf32, #tpu.memory_space<vmem>>, %arg2: memref<1024x128xf32, #tpu.memory_space<vmem>>, %arg3: memref<1024x1xf32, #tpu.memory_space<vmem>>, %arg4: memref<1x128xf32, #tpu.memory_space<vmem>>, %arg5: memref<1024x128xf32, #tpu.memory_space<vmem>>) attributes {dimension_semantics = [#tpu.dimension_semantics<arbitrary>], iteration_bounds = array<i64: 10>, scalar_prefetch = 0 : i64, scratch_operands = 0 : i64, tpu.core_type = #tpu.core_type<tc>, window_params = [{transform_indices = @transform_0, window_bounds = array<i64: 2, 1024, 128>}, {transform_indices = @transform_1, window_bounds = array<i64: 1024, 128>}, {transform_indices = @transform_2, window_bounds = array<i64: 1024, 1>}, {pipeline_mode = #tpu.pipeline_mode<synchronous>, transform_indices = @transform_3, window_bounds = array<i64: 1, 128>}, {transform_indices = @transform_4, window_bounds = array<i64: 1024, 128>}]} {
    %get3A = arith.constant 0 : index
    %get3A_0 = arith.constant 0 : index
    %get3A_1 = arith.constant 0 : index
    %get3A_2 = vector.load %arg1[%get3A, %get3A_0, %get3A_1] : memref<2x1024x128xf32, #tpu.memory_space<vmem>>, vector<1x1024x128xf32>
    %get3A_3 = vector.shape_cast %get3A_2 : vector<1x1024x128xf32> to vector<1024x128xf32>
    %get3A_4 = arith.constant 1 : index
    %get3A_5 = arith.constant 0 : index
    %get3A_6 = arith.constant 0 : index
    %get3A_7 = vector.load %arg1[%get3A_4, %get3A_5, %get3A_6] : memref<2x1024x128xf32, #tpu.memory_space<vmem>>, vector<1x1024x128xf32>
    %get3A_8 = vector.shape_cast %get3A_7 : vector<1x1024x128xf32> to vector<1024x128xf32>
    %add3A = arith.addf %get3A_3, %get3A_8 : vector<1024x128xf32>
    %get3A_9 = arith.constant 0 : index
    %get3A_10 = arith.constant 0 : index
    %get3A_11 = vector.load %arg2[%get3A_9, %get3A_10] : memref<1024x128xf32, #tpu.memory_space<vmem>>, vector<1024x128xf32>
    %add3A_12 = arith.addf %add3A, %get3A_11 : vector<1024x128xf32>
    %get3A_13 = arith.constant 0 : index
    %get3A_14 = arith.constant 0 : index
    %get3A_15 = vector.load %arg3[%get3A_13, %get3A_14] : memref<1024x1xf32, #tpu.memory_space<vmem>>, vector<1024x1xf32>
    %mul3A = vector.broadcast %get3A_15 : vector<1024x1xf32> to vector<1024x128xf32>
    %mul3A_16 = arith.mulf %add3A_12, %mul3A : vector<1024x128xf32>
    %get3A_17 = arith.constant 0 : index
    %get3A_18 = arith.constant 0 : index
    %get3A_19 = vector.load %arg4[%get3A_17, %get3A_18] : memref<1x128xf32, #tpu.memory_space<vmem>>, vector<1x128xf32>
    %add3A_20 = vector.broadcast %get3A_19 : vector<1x128xf32> to vector<1024x128xf32>
    %add3A_21 = arith.addf %mul3A_16, %add3A_20 : vector<1024x128xf32>
    %max3A = arith.constant 0.000000e+00 : f32
    %max3A_22 = vector.broadcast %max3A : f32 to vector<1024x128xf32>
    %max3A_23 = arith.maximumf %add3A_21, %max3A_22 : vector<1024x128xf32>
    %swap3A = arith.constant 0 : index
    %swap3A_24 = arith.constant 0 : index
    %swap3A_25 = vector.load %arg5[%swap3A, %swap3A_24] : memref<1024x128xf32, #tpu.memory_space<vmem>>, vector<1024x128xf32>
    tpu.vector_store %arg5[%swap3A, %swap3A_24], %max3A_23 {strides = array<i32>} : memref<1024x128xf32, #tpu.memory_space<vmem>>, vector<1024x128xf32>,
    return
  }
  func.func @transform_0(%arg0: i32) -> (i32, i32, i32) {
    %c0_i32 = arith.constant 0 : i32
    %c0_i32_0 = arith.constant 0 : i32
    %c0_i32_1 = arith.constant 0 : i32
    return %c0_i32, %arg0, %c0_i32_0 : i32, i32, i32
  }
  func.func @transform_1(%arg0: i32) -> (i32, i32) {
    %c0_i32 = arith.constant 0 : i32
    %c0_i32_0 = arith.constant 0 : i32
    return %arg0, %c0_i32 : i32, i32
  }
  func.func @transform_2(%arg0: i32) -> (i32, i32) {
    %c0_i32 = arith.constant 0 : i32
    %c0_i32_0 = arith.constant 0 : i32
    return %arg0, %c0_i32 : i32, i32
  }
  func.func @transform_3(%arg0: i32) -> (i32, i32) {
    %c0_i32 = arith.constant 0 : i32
    %c0_i32_0 = arith.constant 0 : i32
    %c0_i32_1 = arith.constant 0 : i32
    return %c0_i32, %c0_i32_0 : i32, i32
  }
  func.func @transform_4(%arg0: i32) -> (i32, i32) {
    %c0_i32 = arith.constant 0 : i32
    %c0_i32_0 = arith.constant 0 : i32
    return %arg0, %c0_i32 : i32, i32
  }
}

module attributes {stable_mosaic.version = 14 : i64} {
  func.func @_mlp_body(%arg0: memref<2x80x128xf32, #tpu.memory_space<vmem>>, %arg1: memref<2x128xf32, #tpu.memory_space<vmem>>, %arg2: memref<128x256xf32, #tpu.memory_space<vmem>>, %arg3: memref<1x256xf32, #tpu.memory_space<vmem>>, %arg4: memref<256x1xf32, #tpu.memory_space<vmem>>, %arg5: memref<1x1xf32, #tpu.memory_space<vmem>>, %arg6: memref<64x1xf32, #tpu.memory_space<vmem>>) attributes {dimension_semantics = [], scalar_prefetch = 0 : i64, scratch_operands = 0 : i64, tpu.core_type = #tpu.core_type<tc>} {
    %get3A = arith.constant 0 : index
    %get3A_0 = arith.constant 0 : index
    %get3A_1 = arith.constant 0 : index
    %get3A_2 = vector.load %arg0[%get3A, %get3A_0, %get3A_1] : memref<2x80x128xf32, #tpu.memory_space<vmem>>, vector<1x80x128xf32>
    %get3A_3 = vector.shape_cast %get3A_2 : vector<1x80x128xf32> to vector<80x128xf32>
    %get3A_4 = arith.constant 1 : index
    %get3A_5 = arith.constant 0 : index
    %get3A_6 = arith.constant 0 : index
    %get3A_7 = vector.load %arg0[%get3A_4, %get3A_5, %get3A_6] : memref<2x80x128xf32, #tpu.memory_space<vmem>>, vector<1x80x128xf32>
    %get3A_8 = vector.shape_cast %get3A_7 : vector<1x80x128xf32> to vector<80x128xf32>
    %add3A = arith.addf %get3A_3, %get3A_8 : vector<80x128xf32>
    %get3A_9 = arith.constant 0 : index
    %get3A_10 = arith.constant 0 : index
    %get3A_11 = vector.load %arg1[%get3A_9, %get3A_10] : memref<2x128xf32, #tpu.memory_space<vmem>>, vector<1x128xf32>
    %get3A_12 = vector.shape_cast %get3A_11 : vector<1x128xf32> to vector<128xf32>
    %get3A_13 = arith.constant 1 : index
    %get3A_14 = arith.constant 0 : index
    %get3A_15 = vector.load %arg1[%get3A_13, %get3A_14] : memref<2x128xf32, #tpu.memory_space<vmem>>, vector<1x128xf32>
    %get3A_16 = vector.shape_cast %get3A_15 : vector<1x128xf32> to vector<128xf32>
    %add3A_17 = arith.addf %get3A_12, %get3A_16 : vector<128xf32>
    %slice3A = vector.extract_strided_slice %add3A {offsets = [0, 0], sizes = [64, 128], strides = [1, 1]} : vector<80x128xf32> to vector<64x128xf32>
    %slice3A_18 = vector.extract_strided_slice %add3A_17 {offsets = [0], sizes = [64], strides = [1]} : vector<128xf32> to vector<64xf32>
    %jit3A = arith.constant 1.000000e+00 : f32
    %max3A = vector.broadcast %jit3A : f32 to vector<64xf32>
    %max3A_19 = arith.maximumf %max3A, %slice3A_18 : vector<64xf32>
    %broadcast_in_dim3A = vector.shape_cast %max3A_19 : vector<64xf32> to vector<64x1xf32>
    %div3A = vector.broadcast %broadcast_in_dim3A : vector<64x1xf32> to vector<64x128xf32>
    %div3A_20 = arith.divf %slice3A, %div3A : vector<64x128xf32>
    %get3A_21 = arith.constant 0 : index
    %get3A_22 = arith.constant 0 : index
    %get3A_23 = vector.load %arg2[%get3A_21, %get3A_22] : memref<128x256xf32, #tpu.memory_space<vmem>>, vector<128x256xf32>
    %dot_general3A = arith.constant dense<0.000000e+00> : vector<64x256xf32>
    %dot_general3A_24 = tpu.matmul %div3A_20, %get3A_23, %dot_general3A {dimension_numbers = #tpu.dot_dimension_numbers<[1], [0], [0], [1], [0, 0, 1, 1], [], []>, transpose_lhs_hint = false} : vector<64x128xf32>, vector<128x256xf32>, vector<64x256xf32> -> vector<64x256xf32>
    %get3A_25 = arith.constant 0 : index
    %get3A_26 = arith.constant 0 : index
    %get3A_27 = vector.load %arg3[%get3A_25, %get3A_26] : memref<1x256xf32, #tpu.memory_space<vmem>>, vector<1x256xf32>
    %add3A_28 = vector.broadcast %get3A_27 : vector<1x256xf32> to vector<64x256xf32>
    %add3A_29 = arith.addf %dot_general3A_24, %add3A_28 : vector<64x256xf32>
    %max3A_30 = arith.constant 0.000000e+00 : f32
    %max3A_31 = vector.broadcast %max3A_30 : f32 to vector<64x256xf32>
    %max3A_32 = arith.maximumf %add3A_29, %max3A_31 : vector<64x256xf32>
    %get3A_33 = arith.constant 0 : index
    %get3A_34 = arith.constant 0 : index
    %get3A_35 = vector.load %arg4[%get3A_33, %get3A_34] : memref<256x1xf32, #tpu.memory_space<vmem>>, vector<256x1xf32>
    %dot_general3A_36 = arith.constant dense<0.000000e+00> : vector<64x1xf32>
    %dot_general3A_37 = tpu.matmul %max3A_32, %get3A_35, %dot_general3A_36 {dimension_numbers = #tpu.dot_dimension_numbers<[1], [0], [0], [1], [0, 0, 1, 1], [], []>, transpose_lhs_hint = false} : vector<64x256xf32>, vector<256x1xf32>, vector<64x1xf32> -> vector<64x1xf32>
    %get3A_38 = arith.constant 0 : index
    %get3A_39 = arith.constant 0 : index
    %get3A_40 = vector.load %arg5[%get3A_38, %get3A_39] : memref<1x1xf32, #tpu.memory_space<vmem>>, vector<1x1xf32>
    %add3A_41 = vector.broadcast %get3A_40 : vector<1x1xf32> to vector<64x1xf32>
    %add3A_42 = arith.addf %dot_general3A_37, %add3A_41 : vector<64x1xf32>
    %swap3A = arith.constant 0 : index
    %swap3A_43 = arith.constant 0 : index
    %swap3A_44 = vector.load %arg6[%swap3A, %swap3A_43] : memref<64x1xf32, #tpu.memory_space<vmem>>, vector<64x1xf32>
    tpu.vector_store %arg6[%swap3A, %swap3A_43], %add3A_42 {strides = array<i32>} : memref<64x1xf32, #tpu.memory_space<vmem>>, vector<64x1xf32>,
    return
  }
}

</mosaic_0001>

<sc_bundles>
// kernel: kernel.12.cloned.1.call-start
scs
__scs_entry_jumppad:
0x0: {  	(pc) =	sbr.rel $0x88, $3  }
0x1: {  	(tag) =	ssettag $0x0;
	lr =	simm.s32 $0x1  }
0x2: {  	[smem:$0x3F93] =	sst lr;
	_ =	strace $0xD0000000  }
0x3: {  	_ = 	snop  }
0x4: {  	_ = 	snop  }
0x5: {  	_ = 	snop  }
0x6: {  	_ = 	snop  }
0x7: {  	_ = 	snop  }
__scs_overlays_trampoline_lowered:
0x8: {  	[smem:$0x3FA2] =	sst s0  }
0x9: {  	[smem:$0x3FA3] =	sst s1  }
0xa: {  	[smem:$0x3FA4] =	sst s2  }
0xb: {  	[smem:$0x3FA5] =	sst s3  }
0xc: {  	[smem:$0x3FA6] =	sst s4  }
0xd: {  	[smem:$0x3FA7] =	sst s5  }
0xe: {  	[smem:$0x3FA8] =	sst s6  }
0xf: {  	[smem:$0x3FA9] =	sst s7  }
0x10: {  	[smem:$0x3FAA] =	sst s8  }
0x11: {  	[smem:$0x3FAB] =	sst s9;
	s0 =	simm.s32 @!p0 $0x0  }
0x12: {  	s1 =	sld [smem:$0x3F91];
	s0 =	simm.s32 @p0 $0x1  }
0x13: {  	[smem:$0x3FAC] =	sst s0;
	s0 =	simm.s32 @!p1 $0x0  }
0x14: {  	s2 =	sld [smem:$0x3F90];
	s0 =	simm.s32 @p1 $0x1  }
0x15: {  	[smem:$0x3FAD] =	sst s0;
	s0 =	simm.s32 @!p2 $0x0  }
0x16: {  	s3 =	sld [smem:$0x3FDB];
	s0 =	simm.s32 @p2 $0x1  }
0x17: {  	s4 =	simm.s32 $0x1BF5;
	[smem:$0x3FAF] =	sst s0  }
0x18: {  	s0 =	sld [smem:$0x3F92];
	_ =	swait.ge [sflag:s4], $0x0  }
0x19: {  	s7 =	sld [smem:$0x3F93]  }
0x1a: {  	s8 =	sadd.s32 $0xFFFFE003, lr  }
0x1b: {  	s9 =	sadd.s32 $0xFFFFFEF7, lr;
	s5 =	simm.s32 $0xFFFFFFFF;
	p2 =	slt.u32 s8, $0xFFFFF086  }
0x1c: {  	p1 =	slt.u32 s9, $0xF7A;
	s5 =	simm.s32 @!p2 $0x0  }
0x1d: {  	s5 =	simm.s32 @p1 $0x1;
	p0 =	seq.s32 s7, s2  }
0x1e: {  	s7 =	smul.u32 @!p0 $0xF7A, s2;
	p2 =	seq.s32 @!p0 s5, $0x0  }
0x1f: {  	s9 =	smul.u32 $0xF7A, s1;
	s8 =	simm.s32 @!p0 $0x1BF5;
	p2 =	por !p2, p0  }
0x20: {  	[sflag:s8] =	ssyncset.s32 @!p0 $0xFFFFF086;
	s6 =	sadd.s32 @!p0 s3, s7;
	s7 =	simm.s32 @!p0 $0x108  }
0x21: {  	s3 =	sadd.s32 s3, s9;
	s6 =	sadd.s32 @!p0 $0x88, s6;
	s7 =	simm.s32 @p2 $0x1082  }
0x22: {  	[simem:s7], [sflag:s8] =	dma.local @!p0 [hbm:s6], $0xF7A  }
0x23: {  	s9 =	sor.u32 $0xD0000000, s2;
	s6 =	simm.s32 $0x108;
	_ =	swait.ge @!p0 [sflag:s8], $0x0  }
0x24: {  	s3 =	sadd.s32 $0x88, s3;
	s6 =	simm.s32 @!p1 $0x1082;
	[sflag:s4] =	ssyncset.s32 $0xFFFFF086  }
0x25: {  	[simem:s6], [sflag:s4] =	dma.local [hbm:s3], $0xF7A  }
0x26: {  	[smem:$0x3F93] =	sst s1;
	(tag) =	ssettag s2;
	_ =	strace s9  }
0x27: {  	s1 =	sld [smem:$0x3FA3]  }
0x28: {  	s2 =	sld [smem:$0x3FA4]  }
0x29: {  	s4 =	sld [smem:$0x3FA6]  }
0x2a: {  	p0 =	seq.s32 s5, $0x0;
	s5 =	sld [smem:$0x3FA7]  }
0x2b: {  	s6 =	sld [smem:$0x3FA8]  }
0x2c: {  	s7 =	sld [smem:$0x3FA9]  }
0x2d: {  	s3 =	simm.s32 $0x108;
	s8 =	sld [smem:$0x3FAA]  }
0x2e: {  	s3 =	simm.s32 @!p0 $0x1082;
	s9 =	sld [smem:$0x3FAB]  }
0x2f: {  	lr =	sadd.s32 s0, s3;
	s0 =	sld [smem:$0x3FA2]  }
0x30: {  	s3 =	sld [smem:$0x3FA5]  }
0x31: {  	[smem:$0x3FAE] =	sst s10  }
0x32: {  	s10 =	sld [smem:$0x3FAC];
	_ =	sdelay $0x3  }
0x33: {  	p0 =	seq.s32 s10, $0x1;
	s10 =	sld [smem:$0x3FAE];
	_ =	sdelay $0x3  }
0x34: {  	[smem:$0x3FAE] =	sst s10  }
0x35: {  	s10 =	sld [smem:$0x3FAD];
	_ =	sdelay $0x3  }
0x36: {  	p1 =	seq.s32 s10, $0x1;
	s10 =	sld [smem:$0x3FAE];
	_ =	sdelay $0x3  }
0x37: {  	[smem:$0x3FAE] =	sst s10  }
0x38: {  	s10 =	sld [smem:$0x3FAF]  }
0x39: {  	_ = 	snop;
	(pc) =	sbr.ind lr, $3  }
0x3a: {  	_ = 	snop  }
0x3b: {  	_ = 	snop  }
0x3c: {  	p2 =	seq.s32 s10, $0x1;
	s10 =	sld [smem:$0x3FAE]  }
0x3d: {  	_ =	shalt  }
0x3e: {  	_ =	shalt  }
0x3f: {  	_ =	shalt  }
0x40: {  	_ =	shalt  }
0x41: {  	_ =	shalt  }
0x42: {  	_ =	shalt  }
0x43: {  	_ =	shalt  }
0x44: {  	_ =	shalt  }
0x45: {  	_ =	shalt  }
0x46: {  	_ =	shalt  }
0x47: {  	_ =	shalt  }
0x48: {  	_ =	shalt  }
0x49: {  	_ =	shalt  }
0x4a: {  	_ =	shalt  }
0x4b: {  	_ =	shalt  }
0x4c: {  	_ =	shalt  }
0x4d: {  	_ =	shalt  }
0x4e: {  	_ =	shalt  }
0x4f: {  	_ =	shalt  }
0x50: {  	_ =	shalt  }
0x51: {  	_ =	shalt  }
0x52: {  	_ =	shalt  }
0x53: {  	_ =	shalt  }
0x54: {  	_ =	shalt  }
0x55: {  	_ =	shalt  }
0x56: {  	_ =	shalt  }
0x57: {  	_ =	shalt  }
0x58: {  	_ =	shalt  }
0x59: {  	_ =	shalt  }
0x5a: {  	_ =	shalt  }
0x5b: {  	_ =	shalt  }
0x5c: {  	_ =	shalt  }
0x5d: {  	_ =	shalt  }
0x5e: {  	_ =	shalt  }
0x5f: {  	_ =	shalt  }
0x60: {  	_ =	shalt  }
0x61: {  	_ =	shalt  }
0x62: {  	_ =	shalt  }
0x63: {  	_ =	shalt  }
0x64: {  	_ =	shalt  }
0x65: {  	_ =	shalt  }
0x66: {  	_ =	shalt  }
0x67: {  	_ =	shalt  }
0x68: {  	_ =	shalt  }
0x69: {  	_ =	shalt  }
0x6a: {  	_ =	shalt  }
0x6b: {  	_ =	shalt  }
0x6c: {  	_ =	shalt  }
0x6d: {  	_ =	shalt  }
0x6e: {  	_ =	shalt  }
0x6f: {  	_ =	shalt  }
0x70: {  	_ =	shalt  }
0x71: {  	_ =	shalt  }
0x72: {  	_ =	shalt  }
0x73: {  	_ =	shalt  }
0x74: {  	_ =	shalt  }
0x75: {  	_ =	shalt  }
0x76: {  	_ =	shalt  }
0x77: {  	_ =	shalt  }
0x78: {  	_ =	shalt  }
0x79: {  	_ =	shalt  }
0x7a: {  	_ =	shalt  }
0x7b: {  	_ =	shalt  }
0x7c: {  	_ =	shalt  }
0x7d: {  	_ =	shalt  }
0x7e: {  	_ =	shalt  }
0x7f: {  	_ =	shalt  }
0x80: {  	_ =	shalt  }
0x81: {  	_ =	shalt  }
0x82: {  	_ =	shalt  }
0x83: {  	_ =	shalt  }
0x84: {  	_ =	shalt  }
0x85: {  	_ =	shalt  }
0x86: {  	_ =	shalt  }
0x87: {  	_ =	shalt  }
.Lfunc_end0:
.L_simem_size_0:
called_computation_lowered:
.L_overlay_start_0:
0x88: {  	s2 =	sld [smem:$0x3FD9]  }
0x89: {  	s3 =	sld [smem:$0x3FFE];
	_ =	sdelay $0x1  }
0x8a: {  	s1 =	srdreg.scid  }
0x8b: {  	s0 =	sand.u32 $0x1, s1  }
0x8c: {  	s16 =	sshll.u32 s0, $0xA;
	s2 =	sadd.s32 s3, s2  }
0x8d: {  	s2 =	sadd.s32 s2, s16  }
0x8e: {  	[smem:$0x3FBA] =	sst s2  }
0x8f: {  	_ = 	snop  }
0x90: {  	(tm) =	ssettm $0x1  }
0x91: {  	s17 =	sld [smem:$0x3FFB];
	_ =	sdelay $0x3  }
0x92: {  	_ =	strace s17  }
0x93: {  	s2 =	sld [smem:$0x3FFC];
	_ =	sdelay $0x3  }
0x94: {  	_ =	strace s2  }
0x95: {  	s2 =	sld [smem:$0x3FFD];
	_ =	sdelay $0x3  }
0x96: {  	_ =	strace s2  }
0x97: {  	_ =	strace $0x8FFFFFFF  }
0x98: {  	s18 =	sld [smem:$0x3FDB];
	_ =	sdelay $0x1  }
0x99: {  	s19 =	simm.s32 $_scs_section_size  }
0x9a: {  	s4 =	simm.s32 $_size__tile_overlayer_lowered;
	s5 =	simm.s32 $_tile_overlayer_lowered  }
0x9b: {  	s22 =	simm.s32 $0x1BFF;
	s21 =	sshll.u32 s5, $0x1;
	s2 =	sadd.s32 s19, s18  }
0x9c: {  	s6 =	simm.s32 $0x0;
	s20 =	sshll.u32 s4, $0x1;
	s4 =	sadd.s32 s21, s2  }
0x9d: {  	[timem:s6], [sflag:s22] =	dma.local [hbm:s4], s20  }
0x9e: {  	_ =	swait.ge [sflag:s22], s20  }
0x9f: {  	s3 =	ssub.s32 $0x0, s20;
	[sflag:s22] =	ssyncset.done $0x0  }
0xa0: {  	[sflag:s22] =	ssyncadd.s32 s3;
	_ =	sdelay $0x1  }
0xa1: {  	s23 =	simm.s32 $0x1B8B  }
0xa2: {  	_ =	swait.ge [sflag:s23], $0x1  }
0xa3: {  	[sflag:s23] =	ssyncset.done $0x0  }
0xa4: {  	s25 =	simm.s32 $0x1B8E;
	s24 =	sld [smem:$0x3FFE];
	[sflag:s23] =	ssyncadd.s32 $0xFFFFFFFF  }
0xa5: {  	s26 =	simm.s32 $execute0_lowered;
	[smem:$0x3FD2] =	sst s25  }
0xa6: {  	s4 =	sshll.u32 s26, $0x1;
	_ =	strace $0x80000046;
	[dreg:$0x1] =	wrdreg $0xFFFFFFFF  }
0xa7: {  	s28 =	simm.s32 $_size_execute0_lowered;
	s2 =	sadd.s32 s2, s4;
	[dreg:$0x0] =	wrdreg $0x0  }
0xa8: {  	s4 =	sshll.u32 s28, $0x1;
	[dreg:$0x2] =	wrdreg s2  }
0xa9: {  	[dreg:$0x3] =	wrdreg s4  }
0xaa: {  	[dreg:$0x4] =	wrdreg $0xC0  }
0xab: {  	_ =	task [dreg:s6], $0x5FFFF  }
0xac: {  	[dreg:$0x1] =	wrdreg $0xFFFFFFFF  }
0xad: {  	[dreg:$0x0] =	wrdreg $0x60  }
0xae: {  	[dreg:$0x2] =	wrdreg s24  }
0xaf: {  	[dreg:$0x3] =	wrdreg $0x28800  }
0xb0: {  	[dreg:$0x4] =	wrdreg $0x9  }
0xb1: {  	_ =	task.clear_ibuf [dreg:s6], $0x5FFFF;
	_ =	strace $0x90000046  }
0xb2: {  	s29 =	simm.s32 $0x9;
	_ =	strace $0x80000048  }
0xb3: {  	_ =	swait.ge [sflag:s29], $0x1  }
0xb4: {  	[sflag:s29] =	ssyncadd.s32 $0xFFFFFFFF  }
0xb5: {  	_ =	strace $0x90000048  }
0xb6: {  	_ =	sfence  }
0xb7: {  	s30 =	sld [smem:$0x0];
	_ =	sdelay $0x2  }
0xb8: {  	s31 =	sshll.u32 s1, $0xD;
	s1 =	sshrl.u32 s1, $0x2  }
0xb9: {  	s3 =	sand.u32 $0x4000, s31;
	s1 =	sadd.s32 s1, s30  }
0xba: {  	s0 =	sor.u32 s3, s0;
	s1 =	sshll.u32 s1, $0x11  }
0xbb: {  	s0 =	sor.u32 s1, s0  }
0xbc: {  	s0 =	sadd.s32 $0x8F2B, s0  }
0xbd: {  	[sflag:s0] =	ssyncadd.remote.s32 $0x1  }
0xbe: {  	_ =	sfence.sel $0xFFFF  }
0xbf: {  	[dreg:$0x0] =	wrdreg $0xFFFFFFFF;
	(pc) =	sbr.abs _section_cstart, $3  }
0xc0: {  	[dreg:$0x1] =	wrdreg $0xFFFFFFFF  }
0xc1: {  	_ =	task.clear_ibuf [dreg:s6], $0x2FFFF;
	_ =	strace $0x9FFFFFFF  }
0xc2: {  	(tm) =	ssettm $0x7FFFFFFF  }
0xc3: {  	_ =	shalt  }
tec
execute0_lowered:
.L_overlay_start_1:
0x0: {  	(tag) =	ssettag $0x1  }
0x1: {  	s1 =	srdreg.scid;
	s5 =	rddreg [dreg:$0x0]  }
0x2: {  	s0 =	stileid.u32;
	s2 =	rddreg [dreg:$0x1];
	s3 =	simm.s32 $0x0  }
0x3: {  	s12 =	simm.s32 $0x2800;
	s13 =	simm.s32 $0x0;
	s4 =	sand.u32 $0x1, s1  }
0x4: {  	s30 =	sshll.u32 s0, $0x1;
	s7 =	smul.u32 $0x280, s0;
	[smem:$0x7FF] =	sst s3  }
0x5: {  	s31 =	sshll.u32 s0, $0x6;
	s1 =	sor.u32 s4, s30;
	s8 =	smul.u32 $0x2800, s4  }
0x6: {  	s4 =	ssub.s32 $0x2, s4;
	s6 =	smul.u32 $0x500, s1;
	s1 =	rddreg [dreg:$0x2]  }
0x7: {  	_ =	strace $0x80000047;
	s9 =	sshrl.u32 s7, $0x3;
	s10 =	sshrl.u32 s4, $0x1  }
0x8: {  	s11 =	sadd.s32 s7, s2;
	s8 =	sadd.s32 s7, s8;
	s9 =	sadd.s32 s9, s5  }
0x9: {  	s10 =	ssub.s32 s4, s10;
	s6 =	sadd.s32 s6, s5;
	s8 =	sshrl.u32 s8, $0x3  }
0xa: {  	s7 =	smax.u32 s10, $0x1;
	s10 =	sshrl.u32 s11, $0x3;
	s11 =	simm.s32 $0x80  }
0xb: {  	s8 =	sadd.s32 s8, s5;
	s4 =	sadd.s32 $0x3E00, s6;
	s5 =	sadd.s32 $0xDE00, s9  }
0xc: {  	v0 =	vimm.f32 $1.000000000e+00;
	s9 =	sor.u32 $0x1C01, s31;
	s6 =	sadd.s32 $0xE400, s8;
	s8 =	simm.s32 $0x1  }
.LBB2_1:
0xd: {  	[tilespmem:$0x2800] =	vst v0  }
0xe: {  	[tilespmem:$0x2810] =	vst v0  }
0xf: {  	[tilespmem:$0x2820] =	vst v0  }
0x10: {  	[tilespmem:$0x2830] =	vst v0  }
0x11: {  	[tilespmem:$0x2840] =	vst v0  }
0x12: {  	[tilespmem:$0x2850] =	vst v0  }
0x13: {  	[tilespmem:$0x2860] =	vst v0  }
0x14: {  	[tilespmem:$0x2870] =	vst v0  }
0x15: {  	[tilespmem:s3], [sflag:$0x1] =	stream.linear.gather [hbm4b:s4+s3], $0x2800, $0x38;
	[tilespmem:$0x2B00] =	vst v63  }
0x16: {  	_ =	swait.ge [sflag:s8], $0x2800  }
0x17: {  	[sflag:s8] =	ssyncset.done $0x0  }
0x18: {  	[sflag:s8] =	ssyncadd.s32 $0xFFFFD800  }
0x19: {  	[spmem:s10], [sflag:s9] =	dma.local [hbm:s5], $0x50  }
0x1a: {  	_ =	swait.ge [sflag:s8], $0x50  }
0x1b: {  	[sflag:s8] =	ssyncset.done $0x0  }
0x1c: {  	[sflag:s8] =	ssyncadd.s32 $0xFFFFFFB0  }
0x1d: {  	s14 =	simm.s32 $0x0;
	[bflag:$0x0] =	sbarrier.arrive $0xFFFF  }
0x1e: {  	[spmem:s2] =	stream.indirect.scatter.add.f32 [tilespmem:s12], [sflag:$0x1], $0x1, s14, s11, $0xb8;
	[tilespmem:$0x2B00] =	vst v63  }
0x1f: {  	_ =	swait.ge [sflag:s8], $0x80  }
0x20: {  	s14 =	simm.s32 $0x200;
	[sflag:s8] =	ssyncset.done $0x0  }
.LBB2_2:
0x21: {  	s15 =	sshra.s32 s14, $0x2;
	[sflag:s8] =	ssyncadd.s32 $0xFFFFFF80;
	p0 =	sne.s32 s14, $0x9E00  }
0x22: {  	[spmem:s2] =	stream.indirect.scatter.add.f32 [tilespmem:s12], [sflag:$0x1], $0x1, s15, s11, $0xb8;
	[tilespmem:$0x2B00] =	vst v63  }
.Ltmp0:
0x23: {  	_ = 	snop;
	(pc) =	sbr.rel @p0 .LBB2_2-.Ltmp0, $4  }
0x24: {  	_ = 	snop  }
0x25: {  	s14 =	sadd.s32 $0x200, s14  }
0x26: {  	_ =	swait.ge [sflag:s8], $0x80  }
0x27: {  	[sflag:s8] =	ssyncset.done $0x0  }
0x28: {  	s13 =	sadd.s32 $0x1, s13  }
0x29: {  	[sflag:s8] =	ssyncadd.s32 $0xFFFFFF80;
	p0 =	sne.s32 s13, s7  }
.Ltmp1:
0x2a: {  	[bflag:$0x0] =	sbarrier.arrive $0xFFFF;
	(pc) =	sbr.rel @p0 .LBB2_1-.Ltmp1, $4  }
0x2b: {  	[hbm:s6], [sflag:s9] =	dma.local [spmem:s10], $0x50  }
0x2c: {  	_ =	swait.ge [sflag:s8], $0x50  }
0x2d: {  	[sflag:s8] =	ssyncset.done $0x0  }
0x2e: {  	[sflag:s8] =	ssyncadd.s32 $0xFFFFFFB0  }
0x2f: {  	_ =	sfence.sel $0x180000  }
0x30: {  	[bflag:$0x0] =	sbarrier.arrive $0xFFFF  }
0x31: {  	p0 =	sne.s32 s0, $0x0;
	_ =	strace $0x90000047  }
0x32: {  	s0 =	sadd.s32 @!p0 $0x100000, s1;
	[bflag:$0x2] =	sbarrier.arrive $0xFFFF  }
0x33: {  	[sflag:s0] =	ssyncadd.tile.s32 @!p0 $0x1;
	_ =	shalt  }
.Lfunc_end2:
_tile_overlayer_lowered:
.L_overlay_start_2:
0x34: {  	(tag) =	ssettag $0x2  }
0x35: {  	s0 =	rddreg [dreg:$0x0];
	s2 =	stileid.u32  }
0x36: {  	s1 =	rddreg [dreg:$0x1];
	p0 =	sne.s32 s2, $0x0  }
0x37: {  	s3 =	rddreg [dreg:$0x2];
	[bflag:$0x3] =	sbarrier.arrive $0xFFFF;
	s2 =	simm.s32 @!p0 $0x1C01  }
0x38: {  	[timem:s3], [sflag:s2] =	dma.local @!p0 [hbm:s0], s1  }
0x39: {  	s0 =	simm.s32 @!p0 $0x1  }
0x3a: {  	_ =	swait.ge @!p0 [sflag:s0], s1  }
0x3b: {  	s1 =	ssub.s32 @!p0 $0x0, s1;
	[sflag:s0] =	ssyncset.done @!p0 $0x0  }
0x3c: {  	[sflag:s0] =	ssyncadd.s32 @!p0 s1  }
0x3d: {  	[bflag:$0x3] =	sbarrier.arrive $0xFFFF  }
0x3e: {  	_ =	shalt  }

// kernel: kernel.15.cloned.1.call-start
scs
__scs_entry_jumppad:
0x0: {  	(pc) =	sbr.rel $0x88, $3  }
0x1: {  	(tag) =	ssettag $0x0;
	lr =	simm.s32 $0x1  }
0x2: {  	[smem:$0x3F93] =	sst lr;
	_ =	strace $0xD0000000  }
0x3: {  	_ = 	snop  }
0x4: {  	_ = 	snop  }
0x5: {  	_ = 	snop  }
0x6: {  	_ = 	snop  }
0x7: {  	_ = 	snop  }
__scs_overlays_trampoline_lowered:
0x8: {  	[smem:$0x3FA2] =	sst s0  }
0x9: {  	[smem:$0x3FA3] =	sst s1  }
0xa: {  	[smem:$0x3FA4] =	sst s2  }
0xb: {  	[smem:$0x3FA5] =	sst s3  }
0xc: {  	[smem:$0x3FA6] =	sst s4  }
0xd: {  	[smem:$0x3FA7] =	sst s5  }
0xe: {  	[smem:$0x3FA8] =	sst s6  }
0xf: {  	[smem:$0x3FA9] =	sst s7  }
0x10: {  	[smem:$0x3FAA] =	sst s8  }
0x11: {  	[smem:$0x3FAB] =	sst s9;
	s0 =	simm.s32 @!p0 $0x0  }
0x12: {  	s1 =	sld [smem:$0x3F91];
	s0 =	simm.s32 @p0 $0x1  }
0x13: {  	[smem:$0x3FAC] =	sst s0;
	s0 =	simm.s32 @!p1 $0x0  }
0x14: {  	s2 =	sld [smem:$0x3F90];
	s0 =	simm.s32 @p1 $0x1  }
0x15: {  	[smem:$0x3FAD] =	sst s0;
	s0 =	simm.s32 @!p2 $0x0  }
0x16: {  	s3 =	sld [smem:$0x3FDB];
	s0 =	simm.s32 @p2 $0x1  }
0x17: {  	s4 =	simm.s32 $0x1BF5;
	[smem:$0x3FAF] =	sst s0  }
0x18: {  	s0 =	sld [smem:$0x3F92];
	_ =	swait.ge [sflag:s4], $0x0  }
0x19: {  	s7 =	sld [smem:$0x3F93]  }
0x1a: {  	s8 =	sadd.s32 $0xFFFFE003, lr  }
0x1b: {  	s9 =	sadd.s32 $0xFFFFFEF7, lr;
	s5 =	simm.s32 $0xFFFFFFFF;
	p2 =	slt.u32 s8, $0xFFFFF086  }
0x1c: {  	p1 =	slt.u32 s9, $0xF7A;
	s5 =	simm.s32 @!p2 $0x0  }
0x1d: {  	s5 =	simm.s32 @p1 $0x1;
	p0 =	seq.s32 s7, s2  }
0x1e: {  	s7 =	smul.u32 @!p0 $0xF7A, s2;
	p2 =	seq.s32 @!p0 s5, $0x0  }
0x1f: {  	s9 =	smul.u32 $0xF7A, s1;
	s8 =	simm.s32 @!p0 $0x1BF5;
	p2 =	por !p2, p0  }
0x20: {  	[sflag:s8] =	ssyncset.s32 @!p0 $0xFFFFF086;
	s6 =	sadd.s32 @!p0 s3, s7;
	s7 =	simm.s32 @!p0 $0x108  }
0x21: {  	s3 =	sadd.s32 s3, s9;
	s6 =	sadd.s32 @!p0 $0x88, s6;
	s7 =	simm.s32 @p2 $0x1082  }
0x22: {  	[simem:s7], [sflag:s8] =	dma.local @!p0 [hbm:s6], $0xF7A  }
0x23: {  	s9 =	sor.u32 $0xD0000000, s2;
	s6 =	simm.s32 $0x108;
	_ =	swait.ge @!p0 [sflag:s8], $0x0  }
0x24: {  	s3 =	sadd.s32 $0x88, s3;
	s6 =	simm.s32 @!p1 $0x1082;
	[sflag:s4] =	ssyncset.s32 $0xFFFFF086  }
0x25: {  	[simem:s6], [sflag:s4] =	dma.local [hbm:s3], $0xF7A  }
0x26: {  	[smem:$0x3F93] =	sst s1;
	(tag) =	ssettag s2;
	_ =	strace s9  }
0x27: {  	s1 =	sld [smem:$0x3FA3]  }
0x28: {  	s2 =	sld [smem:$0x3FA4]  }
0x29: {  	s4 =	sld [smem:$0x3FA6]  }
0x2a: {  	p0 =	seq.s32 s5, $0x0;
	s5 =	sld [smem:$0x3FA7]  }
0x2b: {  	s6 =	sld [smem:$0x3FA8]  }
0x2c: {  	s7 =	sld [smem:$0x3FA9]  }
0x2d: {  	s3 =	simm.s32 $0x108;
	s8 =	sld [smem:$0x3FAA]  }
0x2e: {  	s3 =	simm.s32 @!p0 $0x1082;
	s9 =	sld [smem:$0x3FAB]  }
0x2f: {  	lr =	sadd.s32 s0, s3;
	s0 =	sld [smem:$0x3FA2]  }
0x30: {  	s3 =	sld [smem:$0x3FA5]  }
0x31: {  	[smem:$0x3FAE] =	sst s10  }
0x32: {  	s10 =	sld [smem:$0x3FAC];
	_ =	sdelay $0x3  }
0x33: {  	p0 =	seq.s32 s10, $0x1;
	s10 =	sld [smem:$0x3FAE];
	_ =	sdelay $0x3  }
0x34: {  	[smem:$0x3FAE] =	sst s10  }
0x35: {  	s10 =	sld [smem:$0x3FAD];
	_ =	sdelay $0x3  }
0x36: {  	p1 =	seq.s32 s10, $0x1;
	s10 =	sld [smem:$0x3FAE];
	_ =	sdelay $0x3  }
0x37: {  	[smem:$0x3FAE] =	sst s10  }
0x38: {  	s10 =	sld [smem:$0x3FAF]  }
0x39: {  	_ = 	snop;
	(pc) =	sbr.ind lr, $3  }
0x3a: {  	_ = 	snop  }
0x3b: {  	_ = 	snop  }
0x3c: {  	p2 =	seq.s32 s10, $0x1;
	s10 =	sld [smem:$0x3FAE]  }
0x3d: {  	_ =	shalt  }
0x3e: {  	_ =	shalt  }
0x3f: {  	_ =	shalt  }
0x40: {  	_ =	shalt  }
0x41: {  	_ =	shalt  }
0x42: {  	_ =	shalt  }
0x43: {  	_ =	shalt  }
0x44: {  	_ =	shalt  }
0x45: {  	_ =	shalt  }
0x46: {  	_ =	shalt  }
0x47: {  	_ =	shalt  }
0x48: {  	_ =	shalt  }
0x49: {  	_ =	shalt  }
0x4a: {  	_ =	shalt  }
0x4b: {  	_ =	shalt  }
0x4c: {  	_ =	shalt  }
0x4d: {  	_ =	shalt  }
0x4e: {  	_ =	shalt  }
0x4f: {  	_ =	shalt  }
0x50: {  	_ =	shalt  }
0x51: {  	_ =	shalt  }
0x52: {  	_ =	shalt  }
0x53: {  	_ =	shalt  }
0x54: {  	_ =	shalt  }
0x55: {  	_ =	shalt  }
0x56: {  	_ =	shalt  }
0x57: {  	_ =	shalt  }
0x58: {  	_ =	shalt  }
0x59: {  	_ =	shalt  }
0x5a: {  	_ =	shalt  }
0x5b: {  	_ =	shalt  }
0x5c: {  	_ =	shalt  }
0x5d: {  	_ =	shalt  }
0x5e: {  	_ =	shalt  }
0x5f: {  	_ =	shalt  }
0x60: {  	_ =	shalt  }
0x61: {  	_ =	shalt  }
0x62: {  	_ =	shalt  }
0x63: {  	_ =	shalt  }
0x64: {  	_ =	shalt  }
0x65: {  	_ =	shalt  }
0x66: {  	_ =	shalt  }
0x67: {  	_ =	shalt  }
0x68: {  	_ =	shalt  }
0x69: {  	_ =	shalt  }
0x6a: {  	_ =	shalt  }
0x6b: {  	_ =	shalt  }
0x6c: {  	_ =	shalt  }
0x6d: {  	_ =	shalt  }
0x6e: {  	_ =	shalt  }
0x6f: {  	_ =	shalt  }
0x70: {  	_ =	shalt  }
0x71: {  	_ =	shalt  }
0x72: {  	_ =	shalt  }
0x73: {  	_ =	shalt  }
0x74: {  	_ =	shalt  }
0x75: {  	_ =	shalt  }
0x76: {  	_ =	shalt  }
0x77: {  	_ =	shalt  }
0x78: {  	_ =	shalt  }
0x79: {  	_ =	shalt  }
0x7a: {  	_ =	shalt  }
0x7b: {  	_ =	shalt  }
0x7c: {  	_ =	shalt  }
0x7d: {  	_ =	shalt  }
0x7e: {  	_ =	shalt  }
0x7f: {  	_ =	shalt  }
0x80: {  	_ =	shalt  }
0x81: {  	_ =	shalt  }
0x82: {  	_ =	shalt  }
0x83: {  	_ =	shalt  }
0x84: {  	_ =	shalt  }
0x85: {  	_ =	shalt  }
0x86: {  	_ =	shalt  }
0x87: {  	_ =	shalt  }
.Lfunc_end0:
.L_simem_size_0:
called_computation.1_lowered:
.L_overlay_start_0:
0x88: {  	s2 =	sld [smem:$0x3FD9]  }
0x89: {  	s3 =	sld [smem:$0x3FFE];
	_ =	sdelay $0x1  }
0x8a: {  	s1 =	srdreg.scid  }
0x8b: {  	s0 =	sand.u32 $0x1, s1  }
0x8c: {  	s16 =	sshll.u32 s0, $0xA;
	s2 =	sadd.s32 s3, s2  }
0x8d: {  	s2 =	sadd.s32 s2, s16  }
0x8e: {  	[smem:$0x3FBA] =	sst s2  }
0x8f: {  	_ = 	snop  }
0x90: {  	(tm) =	ssettm $0x1  }
0x91: {  	s17 =	sld [smem:$0x3FFB];
	_ =	sdelay $0x3  }
0x92: {  	_ =	strace s17  }
0x93: {  	s2 =	sld [smem:$0x3FFC];
	_ =	sdelay $0x3  }
0x94: {  	_ =	strace s2  }
0x95: {  	s2 =	sld [smem:$0x3FFD];
	_ =	sdelay $0x3  }
0x96: {  	_ =	strace s2  }
0x97: {  	_ =	strace $0x8FFFFFFF  }
0x98: {  	s18 =	sld [smem:$0x3FDB];
	_ =	sdelay $0x1  }
0x99: {  	s19 =	simm.s32 $_scs_section_size  }
0x9a: {  	s4 =	simm.s32 $_size__tile_overlayer_lowered;
	s5 =	simm.s32 $_tile_overlayer_lowered  }
0x9b: {  	s22 =	simm.s32 $0x1BFF;
	s21 =	sshll.u32 s5, $0x1;
	s2 =	sadd.s32 s19, s18  }
0x9c: {  	s6 =	simm.s32 $0x0;
	s20 =	sshll.u32 s4, $0x1;
	s4 =	sadd.s32 s21, s2  }
0x9d: {  	[timem:s6], [sflag:s22] =	dma.local [hbm:s4], s20  }
0x9e: {  	_ =	swait.ge [sflag:s22], s20  }
0x9f: {  	s3 =	ssub.s32 $0x0, s20;
	[sflag:s22] =	ssyncset.done $0x0  }
0xa0: {  	[sflag:s22] =	ssyncadd.s32 s3;
	_ =	sdelay $0x1  }
0xa1: {  	s23 =	simm.s32 $0x1B8B  }
0xa2: {  	_ =	swait.ge [sflag:s23], $0x1  }
0xa3: {  	[sflag:s23] =	ssyncset.done $0x0  }
0xa4: {  	s25 =	simm.s32 $0x1B8E;
	s24 =	sld [smem:$0x3FFE];
	[sflag:s23] =	ssyncadd.s32 $0xFFFFFFFF  }
0xa5: {  	s26 =	simm.s32 $execute0_lowered;
	[smem:$0x3FD2] =	sst s25  }
0xa6: {  	s4 =	sshll.u32 s26, $0x1;
	_ =	strace $0x80000049;
	[dreg:$0x1] =	wrdreg $0xFFFFFFFF  }
0xa7: {  	s28 =	simm.s32 $_size_execute0_lowered;
	s2 =	sadd.s32 s2, s4;
	[dreg:$0x0] =	wrdreg $0x0  }
0xa8: {  	s4 =	sshll.u32 s28, $0x1;
	[dreg:$0x2] =	wrdreg s2  }
0xa9: {  	[dreg:$0x3] =	wrdreg s4  }
0xaa: {  	[dreg:$0x4] =	wrdreg $0xC0  }
0xab: {  	_ =	task [dreg:s6], $0x5FFFF  }
0xac: {  	[dreg:$0x1] =	wrdreg $0xFFFFFFFF  }
0xad: {  	[dreg:$0x0] =	wrdreg $0x60  }
0xae: {  	[dreg:$0x2] =	wrdreg s24  }
0xaf: {  	[dreg:$0x3] =	wrdreg $0x41000  }
0xb0: {  	[dreg:$0x4] =	wrdreg $0x9  }
0xb1: {  	_ =	task.clear_ibuf [dreg:s6], $0x5FFFF;
	_ =	strace $0x90000049  }
0xb2: {  	s29 =	simm.s32 $0x9;
	_ =	strace $0x8000004B  }
0xb3: {  	_ =	swait.ge [sflag:s29], $0x1  }
0xb4: {  	[sflag:s29] =	ssyncadd.s32 $0xFFFFFFFF  }
0xb5: {  	_ =	strace $0x9000004B  }
0xb6: {  	_ =	sfence  }
0xb7: {  	s30 =	sld [smem:$0x0];
	_ =	sdelay $0x2  }
0xb8: {  	s31 =	sshll.u32 s1, $0xD;
	s1 =	sshrl.u32 s1, $0x2  }
0xb9: {  	s3 =	sand.u32 $0x4000, s31;
	s1 =	sadd.s32 s1, s30  }
0xba: {  	s0 =	sor.u32 s3, s0;
	s1 =	sshll.u32 s1, $0x11  }
0xbb: {  	s0 =	sor.u32 s1, s0  }
0xbc: {  	s0 =	sadd.s32 $0x8F2B, s0  }
0xbd: {  	[sflag:s0] =	ssyncadd.remote.s32 $0x1  }
0xbe: {  	_ =	sfence.sel $0xFFFF  }
0xbf: {  	[dreg:$0x0] =	wrdreg $0xFFFFFFFF;
	(pc) =	sbr.abs _section_cstart, $3  }
0xc0: {  	[dreg:$0x1] =	wrdreg $0xFFFFFFFF  }
0xc1: {  	_ =	task.clear_ibuf [dreg:s6], $0x2FFFF;
	_ =	strace $0x9FFFFFFF  }
0xc2: {  	(tm) =	ssettm $0x7FFFFFFF  }
0xc3: {  	_ =	shalt  }
tec
execute0_lowered:
.L_overlay_start_1:
0x0: {  	(tag) =	ssettag $0x1  }
0x1: {  	s5 =	rddreg [dreg:$0x0]  }
0x2: {  	s2 =	rddreg [dreg:$0x1]  }
0x3: {  	s0 =	rddreg [dreg:$0x2]  }
0x4: {  	s1 =	stileid.u32;
	s6 =	srdreg.scid  }
0x5: {  	s3 =	simm.s32 $0x0;
	s13 =	simm.s32 $0x80;
	s4 =	smul.u32 $0xA00, s1  }
0x6: {  	s14 =	simm.s32 $0x100;
	s15 =	simm.s32 $0x1;
	s7 =	smul.u32 $0x2800, s1  }
0x7: {  	s16 =	simm.s32 $0x0;
	s6 =	sand.u32 $0x1, s6;
	s11 =	smul.u32 $0x50000, s1  }
0x8: {  	[smem:$0x7FF] =	sst s3;
	s31 =	sshll.u32 s1, $0x6;
	s8 =	smul.u32 $0x28000, s6  }
0x9: {  	_ =	strace $0x8000004A;
	s10 =	ssub.s32 $0x2, s6;
	s30 =	smul.u32 $0x500, s6  }
0xa: {  	s6 =	sor.u32 $0x1C02, s31;
	s9 =	sadd.s32 s4, s5;
	s4 =	sadd.s32 $0x18E00, s5  }
0xb: {  	s28 =	sshrl.u32 s10, $0x1;
	s29 =	sshrl.u32 s11, $0x2;
	s8 =	sadd.s32 s7, s8  }
0xc: {  	s7 =	sadd.s32 s7, s5;
	s10 =	ssub.s32 s10, s28;
	s12 =	sadd.s32 s29, s2  }
0xd: {  	s11 =	sadd.s32 s30, s9;
	s8 =	sadd.s32 s8, s5;
	s5 =	sadd.s32 $0x40E00, s7  }
0xe: {  	s9 =	sadd.s32 $0x3E00, s11;
	s7 =	sadd.s32 $0x68E00, s8;
	s8 =	smax.u32 s10, $0x1  }
0xf: {  	s10 =	sadd.s32 $0xEE00, s11;
	s11 =	sshrl.u32 s12, $0x3;
	s12 =	simm.s32 $0x2  }
.LBB2_1:
0x10: {  	[spmem:s11], [sflag:s6] =	dma.local [hbm:s5], $0x2800  }
0x11: {  	_ =	swait.ge [sflag:s12], $0x2800  }
0x12: {  	[sflag:s12] =	ssyncset.done $0x0  }
0x13: {  	[sflag:s12] =	ssyncadd.s32 $0xFFFFD800  }
0x14: {  	s17 =	sadd.s32 $0x0, s10;
	[bflag:$0x0] =	sbarrier.arrive $0xFFFF  }
0x15: {  	[tilespmem:s3], [sflag:$0x2] =	stream.linear.gather [hbm4b:s17+s3], $0x80, $0x38;
	[tilespmem:$0x18100] =	vst v63  }
0x16: {  	_ =	swait.ge [sflag:s12], $0x80  }
0x17: {  	[sflag:s12] =	ssyncset.done $0x0  }
0x18: {  	s31 =	sadd.s32 $0x0, s9;
	[sflag:s12] =	ssyncadd.s32 $0xFFFFFF80  }
0x19: {  	[tilespmem:s13], [sflag:$0x2] =	stream.linear.gather [hbm4b:s31+s3], $0x80, $0x38;
	[tilespmem:$0x18100] =	vst v63  }
0x1a: {  	_ =	swait.ge [sflag:s12], $0x80  }
0x1b: {  	[sflag:s12] =	ssyncset.done $0x0  }
0x1c: {  	[sflag:s12] =	ssyncadd.s32 $0xFFFFFF80  }
0x1d: {  	[tilespmem:s14], [sflag:$0x1] =	stream.indirect.gather [hbm4b:s4+s13], $0x80, s3, s13, $0xb8;
	[tilespmem:$0x18100] =	vst v63  }
0x1e: {  	_ =	swait.ge [sflag:s15], $0x4000  }
0x1f: {  	[sflag:s15] =	ssyncset.done $0x0  }
0x20: {  	[sflag:s15] =	ssyncadd.s32 $0xFFFFC000  }
0x21: {  	[spmem:s2] =	stream.indirect.scatter.add.f32 [tilespmem:s14], [sflag:$0x2], $0x80, s13, s13, $0xb8;
	[tilespmem:$0x18100] =	vst v63  }
0x22: {  	_ =	swait.ge [sflag:s12], $0x4000  }
0x23: {  	s18 =	simm.s32 $0x20;
	s17 =	simm.s32 $0x10;
	[sflag:s12] =	ssyncset.done $0x0  }
.LBB2_2:
0x24: {  	s19 =	sadd.s32 s17, s10  }
0x25: {  	[sflag:s12] =	ssyncadd.s32 $0xFFFFC000;
	s20 =	smov.u32 s18;
	s21 =	sadd.s32 $0x10, s18  }
0x26: {  	[tilespmem:s3], [sflag:$0x2] =	stream.linear.gather [hbm4b:s19+s3], $0x80, $0x38;
	[tilespmem:$0x18100] =	vst v63  }
0x27: {  	p0 =	sne.s32 s18, $0x4F0;
	_ =	swait.ge [sflag:s12], $0x80  }
0x28: {  	[sflag:s12] =	ssyncset.done $0x0  }
0x29: {  	s18 =	sadd.s32 s17, s9;
	s17 =	smov.u32 s20;
	[sflag:s12] =	ssyncadd.s32 $0xFFFFFF80  }
0x2a: {  	[tilespmem:s13], [sflag:$0x2] =	stream.linear.gather [hbm4b:s18+s3], $0x80, $0x38;
	[tilespmem:$0x18100] =	vst v63  }
0x2b: {  	_ =	swait.ge [sflag:s12], $0x80  }
0x2c: {  	[sflag:s12] =	ssyncset.done $0x0  }
0x2d: {  	[sflag:s12] =	ssyncadd.s32 $0xFFFFFF80  }
0x2e: {  	[tilespmem:s14], [sflag:$0x1] =	stream.indirect.gather [hbm4b:s4+s13], $0x80, s3, s13, $0xb8;
	[tilespmem:$0x18100] =	vst v63  }
0x2f: {  	_ =	swait.ge [sflag:s15], $0x4000  }
.Ltmp0:
0x30: {  	[sflag:s15] =	ssyncset.done $0x0;
	(pc) =	sbr.rel @p0 .LBB2_2-.Ltmp0, $4  }
0x31: {  	[sflag:s15] =	ssyncadd.s32 $0xFFFFC000  }
0x32: {  	[spmem:s2] =	stream.indirect.scatter.add.f32 [tilespmem:s14], [sflag:$0x2], $0x80, s13, s13, $0xb8;
	[tilespmem:$0x18100] =	vst v63  }
0x33: {  	_ =	swait.ge [sflag:s12], $0x4000  }
0x34: {  	s18 =	smov.u32 s21;
	[sflag:s12] =	ssyncset.done $0x0  }
0x35: {  	s18 =	sadd.s32 s17, s10;
	[sflag:s12] =	ssyncadd.s32 $0xFFFFC000  }
0x36: {  	[tilespmem:s3], [sflag:$0x2] =	stream.linear.gather [hbm4b:s18+s3], $0x80, $0x38;
	[tilespmem:$0x18100] =	vst v63  }
0x37: {  	_ =	swait.ge [sflag:s12], $0x80  }
0x38: {  	[sflag:s12] =	ssyncset.done $0x0  }
0x39: {  	s31 =	sadd.s32 s17, s9;
	[sflag:s12] =	ssyncadd.s32 $0xFFFFFF80  }
0x3a: {  	[tilespmem:s13], [sflag:$0x2] =	stream.linear.gather [hbm4b:s31+s3], $0x80, $0x38;
	[tilespmem:$0x18100] =	vst v63  }
0x3b: {  	_ =	swait.ge [sflag:s12], $0x80  }
0x3c: {  	[sflag:s12] =	ssyncset.done $0x0  }
0x3d: {  	[sflag:s12] =	ssyncadd.s32 $0xFFFFFF80  }
0x3e: {  	[tilespmem:s14], [sflag:$0x1] =	stream.indirect.gather [hbm4b:s4+s13], $0x80, s3, s13, $0xb8;
	[tilespmem:$0x18100] =	vst v63  }
0x3f: {  	_ =	swait.ge [sflag:s15], $0x4000  }
0x40: {  	[sflag:s15] =	ssyncset.done $0x0  }
0x41: {  	[sflag:s15] =	ssyncadd.s32 $0xFFFFC000  }
0x42: {  	[spmem:s2] =	stream.indirect.scatter.add.f32 [tilespmem:s14], [sflag:$0x2], $0x80, s13, s13, $0xb8;
	[tilespmem:$0x18100] =	vst v63  }
0x43: {  	_ =	swait.ge [sflag:s12], $0x4000  }
0x44: {  	s16 =	sadd.s32 $0x1, s16;
	[sflag:s12] =	ssyncset.done $0x0  }
0x45: {  	p0 =	sne.s32 s16, s8;
	[sflag:s12] =	ssyncadd.s32 $0xFFFFC000  }
.Ltmp1:
0x46: {  	[bflag:$0x0] =	sbarrier.arrive $0xFFFF;
	(pc) =	sbr.rel @p0 .LBB2_1-.Ltmp1, $4  }
0x47: {  	[hbm:s7], [sflag:s6] =	dma.local [spmem:s11], $0x2800  }
0x48: {  	_ =	swait.ge [sflag:s12], $0x2800  }
0x49: {  	[sflag:s12] =	ssyncset.done $0x0  }
0x4a: {  	[sflag:s12] =	ssyncadd.s32 $0xFFFFD800  }
0x4b: {  	_ =	sfence.sel $0x180000  }
0x4c: {  	[bflag:$0x0] =	sbarrier.arrive $0xFFFF  }
0x4d: {  	p0 =	sne.s32 s1, $0x0;
	_ =	strace $0x9000004A  }
0x4e: {  	s0 =	sadd.s32 @!p0 $0x100000, s0;
	[bflag:$0x2] =	sbarrier.arrive $0xFFFF  }
0x4f: {  	[sflag:s0] =	ssyncadd.tile.s32 @!p0 $0x1;
	_ =	shalt  }
.Lfunc_end2:
_tile_overlayer_lowered:
.L_overlay_start_2:
0x50: {  	(tag) =	ssettag $0x2  }
0x51: {  	s0 =	rddreg [dreg:$0x0];
	s2 =	stileid.u32  }
0x52: {  	s1 =	rddreg [dreg:$0x1];
	p0 =	sne.s32 s2, $0x0  }
0x53: {  	s3 =	rddreg [dreg:$0x2];
	[bflag:$0x3] =	sbarrier.arrive $0xFFFF;
	s2 =	simm.s32 @!p0 $0x1C02  }
0x54: {  	[timem:s3], [sflag:s2] =	dma.local @!p0 [hbm:s0], s1  }
0x55: {  	s0 =	simm.s32 @!p0 $0x2  }
0x56: {  	_ =	swait.ge @!p0 [sflag:s0], s1  }
0x57: {  	s1 =	ssub.s32 @!p0 $0x0, s1;
	[sflag:s0] =	ssyncset.done @!p0 $0x0  }
0x58: {  	[sflag:s0] =	ssyncadd.s32 @!p0 s1  }
0x59: {  	[bflag:$0x3] =	sbarrier.arrive $0xFFFF  }
0x5a: {  	_ =	shalt  }

// kernel: kernel.18.cloned.1.call-start
scs
__scs_entry_jumppad:
0x0: {  	(pc) =	sbr.rel $0x88, $3  }
0x1: {  	(tag) =	ssettag $0x0;
	lr =	simm.s32 $0x1  }
0x2: {  	[smem:$0x3F93] =	sst lr;
	_ =	strace $0xD0000000  }
0x3: {  	_ = 	snop  }
0x4: {  	_ = 	snop  }
0x5: {  	_ = 	snop  }
0x6: {  	_ = 	snop  }
0x7: {  	_ = 	snop  }
__scs_overlays_trampoline_lowered:
0x8: {  	[smem:$0x3FA2] =	sst s0  }
0x9: {  	[smem:$0x3FA3] =	sst s1  }
0xa: {  	[smem:$0x3FA4] =	sst s2  }
0xb: {  	[smem:$0x3FA5] =	sst s3  }
0xc: {  	[smem:$0x3FA6] =	sst s4  }
0xd: {  	[smem:$0x3FA7] =	sst s5  }
0xe: {  	[smem:$0x3FA8] =	sst s6  }
0xf: {  	[smem:$0x3FA9] =	sst s7  }
0x10: {  	[smem:$0x3FAA] =	sst s8  }
0x11: {  	[smem:$0x3FAB] =	sst s9;
	s0 =	simm.s32 @!p0 $0x0  }
0x12: {  	s1 =	sld [smem:$0x3F91];
	s0 =	simm.s32 @p0 $0x1  }
0x13: {  	[smem:$0x3FAC] =	sst s0;
	s0 =	simm.s32 @!p1 $0x0  }
0x14: {  	s2 =	sld [smem:$0x3F90];
	s0 =	simm.s32 @p1 $0x1  }
0x15: {  	[smem:$0x3FAD] =	sst s0;
	s0 =	simm.s32 @!p2 $0x0  }
0x16: {  	s3 =	sld [smem:$0x3FDB];
	s0 =	simm.s32 @p2 $0x1  }
0x17: {  	s4 =	simm.s32 $0x1BF5;
	[smem:$0x3FAF] =	sst s0  }
0x18: {  	s0 =	sld [smem:$0x3F92];
	_ =	swait.ge [sflag:s4], $0x0  }
0x19: {  	s7 =	sld [smem:$0x3F93]  }
0x1a: {  	s8 =	sadd.s32 $0xFFFFE003, lr  }
0x1b: {  	s9 =	sadd.s32 $0xFFFFFEF7, lr;
	s5 =	simm.s32 $0xFFFFFFFF;
	p2 =	slt.u32 s8, $0xFFFFF086  }
0x1c: {  	p1 =	slt.u32 s9, $0xF7A;
	s5 =	simm.s32 @!p2 $0x0  }
0x1d: {  	s5 =	simm.s32 @p1 $0x1;
	p0 =	seq.s32 s7, s2  }
0x1e: {  	s7 =	smul.u32 @!p0 $0xF7A, s2;
	p2 =	seq.s32 @!p0 s5, $0x0  }
0x1f: {  	s9 =	smul.u32 $0xF7A, s1;
	s8 =	simm.s32 @!p0 $0x1BF5;
	p2 =	por !p2, p0  }
0x20: {  	[sflag:s8] =	ssyncset.s32 @!p0 $0xFFFFF086;
	s6 =	sadd.s32 @!p0 s3, s7;
	s7 =	simm.s32 @!p0 $0x108  }
0x21: {  	s3 =	sadd.s32 s3, s9;
	s6 =	sadd.s32 @!p0 $0x88, s6;
	s7 =	simm.s32 @p2 $0x1082  }
0x22: {  	[simem:s7], [sflag:s8] =	dma.local @!p0 [hbm:s6], $0xF7A  }
0x23: {  	s9 =	sor.u32 $0xD0000000, s2;
	s6 =	simm.s32 $0x108;
	_ =	swait.ge @!p0 [sflag:s8], $0x0  }
0x24: {  	s3 =	sadd.s32 $0x88, s3;
	s6 =	simm.s32 @!p1 $0x1082;
	[sflag:s4] =	ssyncset.s32 $0xFFFFF086  }
0x25: {  	[simem:s6], [sflag:s4] =	dma.local [hbm:s3], $0xF7A  }
0x26: {  	[smem:$0x3F93] =	sst s1;
	(tag) =	ssettag s2;
	_ =	strace s9  }
0x27: {  	s1 =	sld [smem:$0x3FA3]  }
0x28: {  	s2 =	sld [smem:$0x3FA4]  }
0x29: {  	s4 =	sld [smem:$0x3FA6]  }
0x2a: {  	p0 =	seq.s32 s5, $0x0;
	s5 =	sld [smem:$0x3FA7]  }
0x2b: {  	s6 =	sld [smem:$0x3FA8]  }
0x2c: {  	s7 =	sld [smem:$0x3FA9]  }
0x2d: {  	s3 =	simm.s32 $0x108;
	s8 =	sld [smem:$0x3FAA]  }
0x2e: {  	s3 =	simm.s32 @!p0 $0x1082;
	s9 =	sld [smem:$0x3FAB]  }
0x2f: {  	lr =	sadd.s32 s0, s3;
	s0 =	sld [smem:$0x3FA2]  }
0x30: {  	s3 =	sld [smem:$0x3FA5]  }
0x31: {  	[smem:$0x3FAE] =	sst s10  }
0x32: {  	s10 =	sld [smem:$0x3FAC];
	_ =	sdelay $0x3  }
0x33: {  	p0 =	seq.s32 s10, $0x1;
	s10 =	sld [smem:$0x3FAE];
	_ =	sdelay $0x3  }
0x34: {  	[smem:$0x3FAE] =	sst s10  }
0x35: {  	s10 =	sld [smem:$0x3FAD];
	_ =	sdelay $0x3  }
0x36: {  	p1 =	seq.s32 s10, $0x1;
	s10 =	sld [smem:$0x3FAE];
	_ =	sdelay $0x3  }
0x37: {  	[smem:$0x3FAE] =	sst s10  }
0x38: {  	s10 =	sld [smem:$0x3FAF]  }
0x39: {  	_ = 	snop;
	(pc) =	sbr.ind lr, $3  }
0x3a: {  	_ = 	snop  }
0x3b: {  	_ = 	snop  }
0x3c: {  	p2 =	seq.s32 s10, $0x1;
	s10 =	sld [smem:$0x3FAE]  }
0x3d: {  	_ =	shalt  }
0x3e: {  	_ =	shalt  }
0x3f: {  	_ =	shalt  }
0x40: {  	_ =	shalt  }
0x41: {  	_ =	shalt  }
0x42: {  	_ =	shalt  }
0x43: {  	_ =	shalt  }
0x44: {  	_ =	shalt  }
0x45: {  	_ =	shalt  }
0x46: {  	_ =	shalt  }
0x47: {  	_ =	shalt  }
0x48: {  	_ =	shalt  }
0x49: {  	_ =	shalt  }
0x4a: {  	_ =	shalt  }
0x4b: {  	_ =	shalt  }
0x4c: {  	_ =	shalt  }
0x4d: {  	_ =	shalt  }
0x4e: {  	_ =	shalt  }
0x4f: {  	_ =	shalt  }
0x50: {  	_ =	shalt  }
0x51: {  	_ =	shalt  }
0x52: {  	_ =	shalt  }
0x53: {  	_ =	shalt  }
0x54: {  	_ =	shalt  }
0x55: {  	_ =	shalt  }
0x56: {  	_ =	shalt  }
0x57: {  	_ =	shalt  }
0x58: {  	_ =	shalt  }
0x59: {  	_ =	shalt  }
0x5a: {  	_ =	shalt  }
0x5b: {  	_ =	shalt  }
0x5c: {  	_ =	shalt  }
0x5d: {  	_ =	shalt  }
0x5e: {  	_ =	shalt  }
0x5f: {  	_ =	shalt  }
0x60: {  	_ =	shalt  }
0x61: {  	_ =	shalt  }
0x62: {  	_ =	shalt  }
0x63: {  	_ =	shalt  }
0x64: {  	_ =	shalt  }
0x65: {  	_ =	shalt  }
0x66: {  	_ =	shalt  }
0x67: {  	_ =	shalt  }
0x68: {  	_ =	shalt  }
0x69: {  	_ =	shalt  }
0x6a: {  	_ =	shalt  }
0x6b: {  	_ =	shalt  }
0x6c: {  	_ =	shalt  }
0x6d: {  	_ =	shalt  }
0x6e: {  	_ =	shalt  }
0x6f: {  	_ =	shalt  }
0x70: {  	_ =	shalt  }
0x71: {  	_ =	shalt  }
0x72: {  	_ =	shalt  }
0x73: {  	_ =	shalt  }
0x74: {  	_ =	shalt  }
0x75: {  	_ =	shalt  }
0x76: {  	_ =	shalt  }
0x77: {  	_ =	shalt  }
0x78: {  	_ =	shalt  }
0x79: {  	_ =	shalt  }
0x7a: {  	_ =	shalt  }
0x7b: {  	_ =	shalt  }
0x7c: {  	_ =	shalt  }
0x7d: {  	_ =	shalt  }
0x7e: {  	_ =	shalt  }
0x7f: {  	_ =	shalt  }
0x80: {  	_ =	shalt  }
0x81: {  	_ =	shalt  }
0x82: {  	_ =	shalt  }
0x83: {  	_ =	shalt  }
0x84: {  	_ =	shalt  }
0x85: {  	_ =	shalt  }
0x86: {  	_ =	shalt  }
0x87: {  	_ =	shalt  }
.Lfunc_end0:
.L_simem_size_0:
called_computation.2_lowered:
.L_overlay_start_0:
0x88: {  	s2 =	sld [smem:$0x3FD9]  }
0x89: {  	s3 =	sld [smem:$0x3FFE];
	_ =	sdelay $0x1  }
0x8a: {  	s1 =	srdreg.scid  }
0x8b: {  	s0 =	sand.u32 $0x1, s1  }
0x8c: {  	s16 =	sshll.u32 s0, $0xA;
	s2 =	sadd.s32 s3, s2  }
0x8d: {  	s2 =	sadd.s32 s2, s16  }
0x8e: {  	[smem:$0x3FBA] =	sst s2  }
0x8f: {  	_ = 	snop  }
0x90: {  	(tm) =	ssettm $0x1  }
0x91: {  	s17 =	sld [smem:$0x3FFB];
	_ =	sdelay $0x3  }
0x92: {  	_ =	strace s17  }
0x93: {  	s2 =	sld [smem:$0x3FFC];
	_ =	sdelay $0x3  }
0x94: {  	_ =	strace s2  }
0x95: {  	s2 =	sld [smem:$0x3FFD];
	_ =	sdelay $0x3  }
0x96: {  	_ =	strace s2  }
0x97: {  	_ =	strace $0x8FFFFFFF  }
0x98: {  	s18 =	sld [smem:$0x3FDB];
	_ =	sdelay $0x1  }
0x99: {  	s19 =	simm.s32 $_scs_section_size  }
0x9a: {  	s4 =	simm.s32 $_size__tile_overlayer_lowered;
	s5 =	simm.s32 $_tile_overlayer_lowered  }
0x9b: {  	s22 =	simm.s32 $0x1BFF;
	s21 =	sshll.u32 s5, $0x1;
	s2 =	sadd.s32 s19, s18  }
0x9c: {  	s6 =	simm.s32 $0x0;
	s20 =	sshll.u32 s4, $0x1;
	s4 =	sadd.s32 s21, s2  }
0x9d: {  	[timem:s6], [sflag:s22] =	dma.local [hbm:s4], s20  }
0x9e: {  	_ =	swait.ge [sflag:s22], s20  }
0x9f: {  	s3 =	ssub.s32 $0x0, s20;
	[sflag:s22] =	ssyncset.done $0x0  }
0xa0: {  	[sflag:s22] =	ssyncadd.s32 s3;
	_ =	sdelay $0x1  }
0xa1: {  	s23 =	simm.s32 $0x1B8B  }
0xa2: {  	_ =	swait.ge [sflag:s23], $0x1  }
0xa3: {  	[sflag:s23] =	ssyncset.done $0x0  }
0xa4: {  	s25 =	simm.s32 $0x1B8E;
	s24 =	sld [smem:$0x3FFE];
	[sflag:s23] =	ssyncadd.s32 $0xFFFFFFFF  }
0xa5: {  	s26 =	simm.s32 $execute0_lowered;
	[smem:$0x3FD2] =	sst s25  }
0xa6: {  	s4 =	sshll.u32 s26, $0x1;
	_ =	strace $0x8000004C;
	[dreg:$0x1] =	wrdreg $0xFFFFFFFF  }
0xa7: {  	s28 =	simm.s32 $_size_execute0_lowered;
	s2 =	sadd.s32 s2, s4;
	[dreg:$0x0] =	wrdreg $0x0  }
0xa8: {  	s4 =	sshll.u32 s28, $0x1;
	[dreg:$0x2] =	wrdreg s2  }
0xa9: {  	[dreg:$0x3] =	wrdreg s4  }
0xaa: {  	[dreg:$0x4] =	wrdreg $0xC0  }
0xab: {  	_ =	task [dreg:s6], $0x5FFFF  }
0xac: {  	[dreg:$0x1] =	wrdreg $0xFFFFFFFF  }
0xad: {  	[dreg:$0x0] =	wrdreg $0x60  }
0xae: {  	[dreg:$0x2] =	wrdreg s24  }
0xaf: {  	[dreg:$0x3] =	wrdreg $0x41000  }
0xb0: {  	[dreg:$0x4] =	wrdreg $0x9  }
0xb1: {  	_ =	task.clear_ibuf [dreg:s6], $0x5FFFF;
	_ =	strace $0x9000004C  }
0xb2: {  	s29 =	simm.s32 $0x9;
	_ =	strace $0x8000004E  }
0xb3: {  	_ =	swait.ge [sflag:s29], $0x1  }
0xb4: {  	[sflag:s29] =	ssyncadd.s32 $0xFFFFFFFF  }
0xb5: {  	_ =	strace $0x9000004E  }
0xb6: {  	_ =	sfence  }
0xb7: {  	s30 =	sld [smem:$0x0];
	_ =	sdelay $0x2  }
0xb8: {  	s31 =	sshll.u32 s1, $0xD;
	s1 =	sshrl.u32 s1, $0x2  }
0xb9: {  	s3 =	sand.u32 $0x4000, s31;
	s1 =	sadd.s32 s1, s30  }
0xba: {  	s0 =	sor.u32 s3, s0;
	s1 =	sshll.u32 s1, $0x11  }
0xbb: {  	s0 =	sor.u32 s1, s0  }
0xbc: {  	s0 =	sadd.s32 $0x8F2B, s0  }
0xbd: {  	[sflag:s0] =	ssyncadd.remote.s32 $0x1  }
0xbe: {  	_ =	sfence.sel $0xFFFF  }
0xbf: {  	[dreg:$0x0] =	wrdreg $0xFFFFFFFF;
	(pc) =	sbr.abs _section_cstart, $3  }
0xc0: {  	[dreg:$0x1] =	wrdreg $0xFFFFFFFF  }
0xc1: {  	_ =	task.clear_ibuf [dreg:s6], $0x2FFFF;
	_ =	strace $0x9FFFFFFF  }
0xc2: {  	(tm) =	ssettm $0x7FFFFFFF  }
0xc3: {  	_ =	shalt  }
tec
execute0_lowered:
.L_overlay_start_1:
0x0: {  	(tag) =	ssettag $0x1  }
0x1: {  	s5 =	rddreg [dreg:$0x0]  }
0x2: {  	s2 =	rddreg [dreg:$0x1]  }
0x3: {  	s0 =	rddreg [dreg:$0x2]  }
0x4: {  	s1 =	stileid.u32;
	s6 =	srdreg.scid  }
0x5: {  	s3 =	simm.s32 $0x0;
	s13 =	simm.s32 $0x80;
	s4 =	smul.u32 $0xA00, s1  }
0x6: {  	s14 =	simm.s32 $0x100;
	s15 =	simm.s32 $0x1;
	s7 =	smul.u32 $0x2800, s1  }
0x7: {  	s16 =	simm.s32 $0x0;
	s6 =	sand.u32 $0x1, s6;
	s11 =	smul.u32 $0x50000, s1  }
0x8: {  	[smem:$0x7FF] =	sst s3;
	s31 =	sshll.u32 s1, $0x6;
	s8 =	smul.u32 $0x28000, s6  }
0x9: {  	_ =	strace $0x8000004D;
	s10 =	ssub.s32 $0x2, s6;
	s30 =	smul.u32 $0x500, s6  }
0xa: {  	s6 =	sor.u32 $0x1C02, s31;
	s9 =	sadd.s32 s4, s5;
	s4 =	sadd.s32 $0x18E00, s5  }
0xb: {  	s28 =	sshrl.u32 s10, $0x1;
	s29 =	sshrl.u32 s11, $0x2;
	s8 =	sadd.s32 s7, s8  }
0xc: {  	s7 =	sadd.s32 s7, s5;
	s10 =	ssub.s32 s10, s28;
	s12 =	sadd.s32 s29, s2  }
0xd: {  	s11 =	sadd.s32 s30, s9;
	s8 =	sadd.s32 s8, s5;
	s5 =	sadd.s32 $0x40E00, s7  }
0xe: {  	s9 =	sadd.s32 $0x3E00, s11;
	s7 =	sadd.s32 $0x68E00, s8;
	s8 =	smax.u32 s10, $0x1  }
0xf: {  	s10 =	sadd.s32 $0xEE00, s11;
	s11 =	sshrl.u32 s12, $0x3;
	s12 =	simm.s32 $0x2  }
.LBB2_1:
0x10: {  	[spmem:s11], [sflag:s6] =	dma.local [hbm:s5], $0x2800  }
0x11: {  	_ =	swait.ge [sflag:s12], $0x2800  }
0x12: {  	[sflag:s12] =	ssyncset.done $0x0  }
0x13: {  	[sflag:s12] =	ssyncadd.s32 $0xFFFFD800  }
0x14: {  	s17 =	sadd.s32 $0x0, s10;
	[bflag:$0x0] =	sbarrier.arrive $0xFFFF  }
0x15: {  	[tilespmem:s3], [sflag:$0x2] =	stream.linear.gather [hbm4b:s17+s3], $0x80, $0x38;
	[tilespmem:$0x18100] =	vst v63  }
0x16: {  	_ =	swait.ge [sflag:s12], $0x80  }
0x17: {  	[sflag:s12] =	ssyncset.done $0x0  }
0x18: {  	s31 =	sadd.s32 $0x0, s9;
	[sflag:s12] =	ssyncadd.s32 $0xFFFFFF80  }
0x19: {  	[tilespmem:s13], [sflag:$0x2] =	stream.linear.gather [hbm4b:s31+s3], $0x80, $0x38;
	[tilespmem:$0x18100] =	vst v63  }
0x1a: {  	_ =	swait.ge [sflag:s12], $0x80  }
0x1b: {  	[sflag:s12] =	ssyncset.done $0x0  }
0x1c: {  	[sflag:s12] =	ssyncadd.s32 $0xFFFFFF80  }
0x1d: {  	[tilespmem:s14], [sflag:$0x1] =	stream.indirect.gather [hbm4b:s4+s13], $0x80, s3, s13, $0xb8;
	[tilespmem:$0x18100] =	vst v63  }
0x1e: {  	_ =	swait.ge [sflag:s15], $0x4000  }
0x1f: {  	[sflag:s15] =	ssyncset.done $0x0  }
0x20: {  	[sflag:s15] =	ssyncadd.s32 $0xFFFFC000  }
0x21: {  	[spmem:s2] =	stream.indirect.scatter.add.f32 [tilespmem:s14], [sflag:$0x2], $0x80, s13, s13, $0xb8;
	[tilespmem:$0x18100] =	vst v63  }
0x22: {  	_ =	swait.ge [sflag:s12], $0x4000  }
0x23: {  	s18 =	simm.s32 $0x20;
	s17 =	simm.s32 $0x10;
	[sflag:s12] =	ssyncset.done $0x0  }
.LBB2_2:
0x24: {  	s19 =	sadd.s32 s17, s10  }
0x25: {  	[sflag:s12] =	ssyncadd.s32 $0xFFFFC000;
	s20 =	smov.u32 s18;
	s21 =	sadd.s32 $0x10, s18  }
0x26: {  	[tilespmem:s3], [sflag:$0x2] =	stream.linear.gather [hbm4b:s19+s3], $0x80, $0x38;
	[tilespmem:$0x18100] =	vst v63  }
0x27: {  	p0 =	sne.s32 s18, $0x4F0;
	_ =	swait.ge [sflag:s12], $0x80  }
0x28: {  	[sflag:s12] =	ssyncset.done $0x0  }
0x29: {  	s18 =	sadd.s32 s17, s9;
	s17 =	smov.u32 s20;
	[sflag:s12] =	ssyncadd.s32 $0xFFFFFF80  }
0x2a: {  	[tilespmem:s13], [sflag:$0x2] =	stream.linear.gather [hbm4b:s18+s3], $0x80, $0x38;
	[tilespmem:$0x18100] =	vst v63  }
0x2b: {  	_ =	swait.ge [sflag:s12], $0x80  }
0x2c: {  	[sflag:s12] =	ssyncset.done $0x0  }
0x2d: {  	[sflag:s12] =	ssyncadd.s32 $0xFFFFFF80  }
0x2e: {  	[tilespmem:s14], [sflag:$0x1] =	stream.indirect.gather [hbm4b:s4+s13], $0x80, s3, s13, $0xb8;
	[tilespmem:$0x18100] =	vst v63  }
0x2f: {  	_ =	swait.ge [sflag:s15], $0x4000  }
.Ltmp0:
0x30: {  	[sflag:s15] =	ssyncset.done $0x0;
	(pc) =	sbr.rel @p0 .LBB2_2-.Ltmp0, $4  }
0x31: {  	[sflag:s15] =	ssyncadd.s32 $0xFFFFC000  }
0x32: {  	[spmem:s2] =	stream.indirect.scatter.add.f32 [tilespmem:s14], [sflag:$0x2], $0x80, s13, s13, $0xb8;
	[tilespmem:$0x18100] =	vst v63  }
0x33: {  	_ =	swait.ge [sflag:s12], $0x4000  }
0x34: {  	s18 =	smov.u32 s21;
	[sflag:s12] =	ssyncset.done $0x0  }
0x35: {  	s18 =	sadd.s32 s17, s10;
	[sflag:s12] =	ssyncadd.s32 $0xFFFFC000  }
0x36: {  	[tilespmem:s3], [sflag:$0x2] =	stream.linear.gather [hbm4b:s18+s3], $0x80, $0x38;
	[tilespmem:$0x18100] =	vst v63  }
0x37: {  	_ =	swait.ge [sflag:s12], $0x80  }
0x38: {  	[sflag:s12] =	ssyncset.done $0x0  }
0x39: {  	s31 =	sadd.s32 s17, s9;
	[sflag:s12] =	ssyncadd.s32 $0xFFFFFF80  }
0x3a: {  	[tilespmem:s13], [sflag:$0x2] =	stream.linear.gather [hbm4b:s31+s3], $0x80, $0x38;
	[tilespmem:$0x18100] =	vst v63  }
0x3b: {  	_ =	swait.ge [sflag:s12], $0x80  }
0x3c: {  	[sflag:s12] =	ssyncset.done $0x0  }
0x3d: {  	[sflag:s12] =	ssyncadd.s32 $0xFFFFFF80  }
0x3e: {  	[tilespmem:s14], [sflag:$0x1] =	stream.indirect.gather [hbm4b:s4+s13], $0x80, s3, s13, $0xb8;
	[tilespmem:$0x18100] =	vst v63  }
0x3f: {  	_ =	swait.ge [sflag:s15], $0x4000  }
0x40: {  	[sflag:s15] =	ssyncset.done $0x0  }
0x41: {  	[sflag:s15] =	ssyncadd.s32 $0xFFFFC000  }
0x42: {  	[spmem:s2] =	stream.indirect.scatter.add.f32 [tilespmem:s14], [sflag:$0x2], $0x80, s13, s13, $0xb8;
	[tilespmem:$0x18100] =	vst v63  }
0x43: {  	_ =	swait.ge [sflag:s12], $0x4000  }
0x44: {  	s16 =	sadd.s32 $0x1, s16;
	[sflag:s12] =	ssyncset.done $0x0  }
0x45: {  	p0 =	sne.s32 s16, s8;
	[sflag:s12] =	ssyncadd.s32 $0xFFFFC000  }
.Ltmp1:
0x46: {  	[bflag:$0x0] =	sbarrier.arrive $0xFFFF;
	(pc) =	sbr.rel @p0 .LBB2_1-.Ltmp1, $4  }
0x47: {  	[hbm:s7], [sflag:s6] =	dma.local [spmem:s11], $0x2800  }
0x48: {  	_ =	swait.ge [sflag:s12], $0x2800  }
0x49: {  	[sflag:s12] =	ssyncset.done $0x0  }
0x4a: {  	[sflag:s12] =	ssyncadd.s32 $0xFFFFD800  }
0x4b: {  	_ =	sfence.sel $0x180000  }
0x4c: {  	[bflag:$0x0] =	sbarrier.arrive $0xFFFF  }
0x4d: {  	p0 =	sne.s32 s1, $0x0;
	_ =	strace $0x9000004D  }
0x4e: {  	s0 =	sadd.s32 @!p0 $0x100000, s0;
	[bflag:$0x2] =	sbarrier.arrive $0xFFFF  }
0x4f: {  	[sflag:s0] =	ssyncadd.tile.s32 @!p0 $0x1;
	_ =	shalt  }
.Lfunc_end2:
_tile_overlayer_lowered:
.L_overlay_start_2:
0x50: {  	(tag) =	ssettag $0x2  }
0x51: {  	s0 =	rddreg [dreg:$0x0];
	s2 =	stileid.u32  }
0x52: {  	s1 =	rddreg [dreg:$0x1];
	p0 =	sne.s32 s2, $0x0  }
0x53: {  	s3 =	rddreg [dreg:$0x2];
	[bflag:$0x3] =	sbarrier.arrive $0xFFFF;
	s2 =	simm.s32 @!p0 $0x1C02  }
0x54: {  	[timem:s3], [sflag:s2] =	dma.local @!p0 [hbm:s0], s1  }
0x55: {  	s0 =	simm.s32 @!p0 $0x2  }
0x56: {  	_ =	swait.ge @!p0 [sflag:s0], s1  }
0x57: {  	s1 =	ssub.s32 @!p0 $0x0, s1;
	[sflag:s0] =	ssyncset.done @!p0 $0x0  }
0x58: {  	[sflag:s0] =	ssyncadd.s32 @!p0 s1  }
0x59: {  	[bflag:$0x3] =	sbarrier.arrive $0xFFFF  }
0x5a: {  	_ =	shalt  }

// kernel: kernel.21.cloned.1.call-start
scs
__scs_entry_jumppad:
0x0: {  	(pc) =	sbr.rel $0x88, $3  }
0x1: {  	(tag) =	ssettag $0x0;
	lr =	simm.s32 $0x1  }
0x2: {  	[smem:$0x3F93] =	sst lr;
	_ =	strace $0xD0000000  }
0x3: {  	_ = 	snop  }
0x4: {  	_ = 	snop  }
0x5: {  	_ = 	snop  }
0x6: {  	_ = 	snop  }
0x7: {  	_ = 	snop  }
__scs_overlays_trampoline_lowered:
0x8: {  	[smem:$0x3FA2] =	sst s0  }
0x9: {  	[smem:$0x3FA3] =	sst s1  }
0xa: {  	[smem:$0x3FA4] =	sst s2  }
0xb: {  	[smem:$0x3FA5] =	sst s3  }
0xc: {  	[smem:$0x3FA6] =	sst s4  }
0xd: {  	[smem:$0x3FA7] =	sst s5  }
0xe: {  	[smem:$0x3FA8] =	sst s6  }
0xf: {  	[smem:$0x3FA9] =	sst s7  }
0x10: {  	[smem:$0x3FAA] =	sst s8  }
0x11: {  	[smem:$0x3FAB] =	sst s9;
	s0 =	simm.s32 @!p0 $0x0  }
0x12: {  	s1 =	sld [smem:$0x3F91];
	s0 =	simm.s32 @p0 $0x1  }
0x13: {  	[smem:$0x3FAC] =	sst s0;
	s0 =	simm.s32 @!p1 $0x0  }
0x14: {  	s2 =	sld [smem:$0x3F90];
	s0 =	simm.s32 @p1 $0x1  }
0x15: {  	[smem:$0x3FAD] =	sst s0;
	s0 =	simm.s32 @!p2 $0x0  }
0x16: {  	s3 =	sld [smem:$0x3FDB];
	s0 =	simm.s32 @p2 $0x1  }
0x17: {  	s4 =	simm.s32 $0x1BF5;
	[smem:$0x3FAF] =	sst s0  }
0x18: {  	s0 =	sld [smem:$0x3F92];
	_ =	swait.ge [sflag:s4], $0x0  }
0x19: {  	s7 =	sld [smem:$0x3F93]  }
0x1a: {  	s8 =	sadd.s32 $0xFFFFE003, lr  }
0x1b: {  	s9 =	sadd.s32 $0xFFFFFEF7, lr;
	s5 =	simm.s32 $0xFFFFFFFF;
	p2 =	slt.u32 s8, $0xFFFFF086  }
0x1c: {  	p1 =	slt.u32 s9, $0xF7A;
	s5 =	simm.s32 @!p2 $0x0  }
0x1d: {  	s5 =	simm.s32 @p1 $0x1;
	p0 =	seq.s32 s7, s2  }
0x1e: {  	s7 =	smul.u32 @!p0 $0xF7A, s2;
	p2 =	seq.s32 @!p0 s5, $0x0  }
0x1f: {  	s9 =	smul.u32 $0xF7A, s1;
	s8 =	simm.s32 @!p0 $0x1BF5;
	p2 =	por !p2, p0  }
0x20: {  	[sflag:s8] =	ssyncset.s32 @!p0 $0xFFFFF086;
	s6 =	sadd.s32 @!p0 s3, s7;
	s7 =	simm.s32 @!p0 $0x108  }
0x21: {  	s3 =	sadd.s32 s3, s9;
	s6 =	sadd.s32 @!p0 $0x88, s6;
	s7 =	simm.s32 @p2 $0x1082  }
0x22: {  	[simem:s7], [sflag:s8] =	dma.local @!p0 [hbm:s6], $0xF7A  }
0x23: {  	s9 =	sor.u32 $0xD0000000, s2;
	s6 =	simm.s32 $0x108;
	_ =	swait.ge @!p0 [sflag:s8], $0x0  }
0x24: {  	s3 =	sadd.s32 $0x88, s3;
	s6 =	simm.s32 @!p1 $0x1082;
	[sflag:s4] =	ssyncset.s32 $0xFFFFF086  }
0x25: {  	[simem:s6], [sflag:s4] =	dma.local [hbm:s3], $0xF7A  }
0x26: {  	[smem:$0x3F93] =	sst s1;
	(tag) =	ssettag s2;
	_ =	strace s9  }
0x27: {  	s1 =	sld [smem:$0x3FA3]  }
0x28: {  	s2 =	sld [smem:$0x3FA4]  }
0x29: {  	s4 =	sld [smem:$0x3FA6]  }
0x2a: {  	p0 =	seq.s32 s5, $0x0;
	s5 =	sld [smem:$0x3FA7]  }
0x2b: {  	s6 =	sld [smem:$0x3FA8]  }
0x2c: {  	s7 =	sld [smem:$0x3FA9]  }
0x2d: {  	s3 =	simm.s32 $0x108;
	s8 =	sld [smem:$0x3FAA]  }
0x2e: {  	s3 =	simm.s32 @!p0 $0x1082;
	s9 =	sld [smem:$0x3FAB]  }
0x2f: {  	lr =	sadd.s32 s0, s3;
	s0 =	sld [smem:$0x3FA2]  }
0x30: {  	s3 =	sld [smem:$0x3FA5]  }
0x31: {  	[smem:$0x3FAE] =	sst s10  }
0x32: {  	s10 =	sld [smem:$0x3FAC];
	_ =	sdelay $0x3  }
0x33: {  	p0 =	seq.s32 s10, $0x1;
	s10 =	sld [smem:$0x3FAE];
	_ =	sdelay $0x3  }
0x34: {  	[smem:$0x3FAE] =	sst s10  }
0x35: {  	s10 =	sld [smem:$0x3FAD];
	_ =	sdelay $0x3  }
0x36: {  	p1 =	seq.s32 s10, $0x1;
	s10 =	sld [smem:$0x3FAE];
	_ =	sdelay $0x3  }
0x37: {  	[smem:$0x3FAE] =	sst s10  }
0x38: {  	s10 =	sld [smem:$0x3FAF]  }
0x39: {  	_ = 	snop;
	(pc) =	sbr.ind lr, $3  }
0x3a: {  	_ = 	snop  }
0x3b: {  	_ = 	snop  }
0x3c: {  	p2 =	seq.s32 s10, $0x1;
	s10 =	sld [smem:$0x3FAE]  }
0x3d: {  	_ =	shalt  }
0x3e: {  	_ =	shalt  }
0x3f: {  	_ =	shalt  }
0x40: {  	_ =	shalt  }
0x41: {  	_ =	shalt  }
0x42: {  	_ =	shalt  }
0x43: {  	_ =	shalt  }
0x44: {  	_ =	shalt  }
0x45: {  	_ =	shalt  }
0x46: {  	_ =	shalt  }
0x47: {  	_ =	shalt  }
0x48: {  	_ =	shalt  }
0x49: {  	_ =	shalt  }
0x4a: {  	_ =	shalt  }
0x4b: {  	_ =	shalt  }
0x4c: {  	_ =	shalt  }
0x4d: {  	_ =	shalt  }
0x4e: {  	_ =	shalt  }
0x4f: {  	_ =	shalt  }
0x50: {  	_ =	shalt  }
0x51: {  	_ =	shalt  }
0x52: {  	_ =	shalt  }
0x53: {  	_ =	shalt  }
0x54: {  	_ =	shalt  }
0x55: {  	_ =	shalt  }
0x56: {  	_ =	shalt  }
0x57: {  	_ =	shalt  }
0x58: {  	_ =	shalt  }
0x59: {  	_ =	shalt  }
0x5a: {  	_ =	shalt  }
0x5b: {  	_ =	shalt  }
0x5c: {  	_ =	shalt  }
0x5d: {  	_ =	shalt  }
0x5e: {  	_ =	shalt  }
0x5f: {  	_ =	shalt  }
0x60: {  	_ =	shalt  }
0x61: {  	_ =	shalt  }
0x62: {  	_ =	shalt  }
0x63: {  	_ =	shalt  }
0x64: {  	_ =	shalt  }
0x65: {  	_ =	shalt  }
0x66: {  	_ =	shalt  }
0x67: {  	_ =	shalt  }
0x68: {  	_ =	shalt  }
0x69: {  	_ =	shalt  }
0x6a: {  	_ =	shalt  }
0x6b: {  	_ =	shalt  }
0x6c: {  	_ =	shalt  }
0x6d: {  	_ =	shalt  }
0x6e: {  	_ =	shalt  }
0x6f: {  	_ =	shalt  }
0x70: {  	_ =	shalt  }
0x71: {  	_ =	shalt  }
0x72: {  	_ =	shalt  }
0x73: {  	_ =	shalt  }
0x74: {  	_ =	shalt  }
0x75: {  	_ =	shalt  }
0x76: {  	_ =	shalt  }
0x77: {  	_ =	shalt  }
0x78: {  	_ =	shalt  }
0x79: {  	_ =	shalt  }
0x7a: {  	_ =	shalt  }
0x7b: {  	_ =	shalt  }
0x7c: {  	_ =	shalt  }
0x7d: {  	_ =	shalt  }
0x7e: {  	_ =	shalt  }
0x7f: {  	_ =	shalt  }
0x80: {  	_ =	shalt  }
0x81: {  	_ =	shalt  }
0x82: {  	_ =	shalt  }
0x83: {  	_ =	shalt  }
0x84: {  	_ =	shalt  }
0x85: {  	_ =	shalt  }
0x86: {  	_ =	shalt  }
0x87: {  	_ =	shalt  }
.Lfunc_end0:
.L_simem_size_0:
called_computation.3_lowered:
.L_overlay_start_0:
0x88: {  	s2 =	sld [smem:$0x3FD9]  }
0x89: {  	s3 =	sld [smem:$0x3FFE];
	_ =	sdelay $0x1  }
0x8a: {  	s1 =	srdreg.scid  }
0x8b: {  	s0 =	sand.u32 $0x1, s1  }
0x8c: {  	s16 =	sshll.u32 s0, $0xA;
	s2 =	sadd.s32 s3, s2  }
0x8d: {  	s2 =	sadd.s32 s2, s16  }
0x8e: {  	[smem:$0x3FBA] =	sst s2  }
0x8f: {  	_ = 	snop  }
0x90: {  	(tm) =	ssettm $0x1  }
0x91: {  	s17 =	sld [smem:$0x3FFB];
	_ =	sdelay $0x3  }
0x92: {  	_ =	strace s17  }
0x93: {  	s2 =	sld [smem:$0x3FFC];
	_ =	sdelay $0x3  }
0x94: {  	_ =	strace s2  }
0x95: {  	s2 =	sld [smem:$0x3FFD];
	_ =	sdelay $0x3  }
0x96: {  	_ =	strace s2  }
0x97: {  	_ =	strace $0x8FFFFFFF  }
0x98: {  	s18 =	sld [smem:$0x3FDB];
	_ =	sdelay $0x1  }
0x99: {  	s19 =	simm.s32 $_scs_section_size  }
0x9a: {  	s4 =	simm.s32 $_size__tile_overlayer_lowered;
	s5 =	simm.s32 $_tile_overlayer_lowered  }
0x9b: {  	s22 =	simm.s32 $0x1BFF;
	s21 =	sshll.u32 s5, $0x1;
	s2 =	sadd.s32 s19, s18  }
0x9c: {  	s6 =	simm.s32 $0x0;
	s20 =	sshll.u32 s4, $0x1;
	s4 =	sadd.s32 s21, s2  }
0x9d: {  	[timem:s6], [sflag:s22] =	dma.local [hbm:s4], s20  }
0x9e: {  	_ =	swait.ge [sflag:s22], s20  }
0x9f: {  	s3 =	ssub.s32 $0x0, s20;
	[sflag:s22] =	ssyncset.done $0x0  }
0xa0: {  	[sflag:s22] =	ssyncadd.s32 s3;
	_ =	sdelay $0x1  }
0xa1: {  	s23 =	simm.s32 $0x1B8B  }
0xa2: {  	_ =	swait.ge [sflag:s23], $0x1  }
0xa3: {  	[sflag:s23] =	ssyncset.done $0x0  }
0xa4: {  	s25 =	simm.s32 $0x1B8E;
	s24 =	sld [smem:$0x3FFE];
	[sflag:s23] =	ssyncadd.s32 $0xFFFFFFFF  }
0xa5: {  	s26 =	simm.s32 $execute0_lowered;
	[smem:$0x3FD2] =	sst s25  }
0xa6: {  	s4 =	sshll.u32 s26, $0x1;
	_ =	strace $0x8000004F;
	[dreg:$0x1] =	wrdreg $0xFFFFFFFF  }
0xa7: {  	s28 =	simm.s32 $_size_execute0_lowered;
	s2 =	sadd.s32 s2, s4;
	[dreg:$0x0] =	wrdreg $0x0  }
0xa8: {  	s4 =	sshll.u32 s28, $0x1;
	[dreg:$0x2] =	wrdreg s2  }
0xa9: {  	[dreg:$0x3] =	wrdreg s4  }
0xaa: {  	[dreg:$0x4] =	wrdreg $0xC0  }
0xab: {  	_ =	task [dreg:s6], $0x5FFFF  }
0xac: {  	[dreg:$0x1] =	wrdreg $0xFFFFFFFF  }
0xad: {  	[dreg:$0x0] =	wrdreg $0x60  }
0xae: {  	[dreg:$0x2] =	wrdreg s24  }
0xaf: {  	[dreg:$0x3] =	wrdreg $0x41000  }
0xb0: {  	[dreg:$0x4] =	wrdreg $0x9  }
0xb1: {  	_ =	task.clear_ibuf [dreg:s6], $0x5FFFF;
	_ =	strace $0x9000004F  }
0xb2: {  	s29 =	simm.s32 $0x9;
	_ =	strace $0x80000051  }
0xb3: {  	_ =	swait.ge [sflag:s29], $0x1  }
0xb4: {  	[sflag:s29] =	ssyncadd.s32 $0xFFFFFFFF  }
0xb5: {  	_ =	strace $0x90000051  }
0xb6: {  	_ =	sfence  }
0xb7: {  	s30 =	sld [smem:$0x0];
	_ =	sdelay $0x2  }
0xb8: {  	s31 =	sshll.u32 s1, $0xD;
	s1 =	sshrl.u32 s1, $0x2  }
0xb9: {  	s3 =	sand.u32 $0x4000, s31;
	s1 =	sadd.s32 s1, s30  }
0xba: {  	s0 =	sor.u32 s3, s0;
	s1 =	sshll.u32 s1, $0x11  }
0xbb: {  	s0 =	sor.u32 s1, s0  }
0xbc: {  	s0 =	sadd.s32 $0x8F2B, s0  }
0xbd: {  	[sflag:s0] =	ssyncadd.remote.s32 $0x1  }
0xbe: {  	_ =	sfence.sel $0xFFFF  }
0xbf: {  	[dreg:$0x0] =	wrdreg $0xFFFFFFFF;
	(pc) =	sbr.abs _section_cstart, $3  }
0xc0: {  	[dreg:$0x1] =	wrdreg $0xFFFFFFFF  }
0xc1: {  	_ =	task.clear_ibuf [dreg:s6], $0x2FFFF;
	_ =	strace $0x9FFFFFFF  }
0xc2: {  	(tm) =	ssettm $0x7FFFFFFF  }
0xc3: {  	_ =	shalt  }
tec
execute0_lowered:
.L_overlay_start_1:
0x0: {  	(tag) =	ssettag $0x1  }
0x1: {  	s5 =	rddreg [dreg:$0x0]  }
0x2: {  	s2 =	rddreg [dreg:$0x1]  }
0x3: {  	s0 =	rddreg [dreg:$0x2]  }
0x4: {  	s1 =	stileid.u32;
	s6 =	srdreg.scid  }
0x5: {  	s3 =	simm.s32 $0x0;
	s13 =	simm.s32 $0x80;
	s4 =	smul.u32 $0xA00, s1  }
0x6: {  	s14 =	simm.s32 $0x100;
	s15 =	simm.s32 $0x1;
	s7 =	smul.u32 $0x2800, s1  }
0x7: {  	s16 =	simm.s32 $0x0;
	s6 =	sand.u32 $0x1, s6;
	s11 =	smul.u32 $0x50000, s1  }
0x8: {  	[smem:$0x7FF] =	sst s3;
	s31 =	sshll.u32 s1, $0x6;
	s8 =	smul.u32 $0x28000, s6  }
0x9: {  	_ =	strace $0x80000050;
	s10 =	ssub.s32 $0x2, s6;
	s30 =	smul.u32 $0x500, s6  }
0xa: {  	s6 =	sor.u32 $0x1C02, s31;
	s9 =	sadd.s32 s4, s5;
	s4 =	sadd.s32 $0x18E00, s5  }
0xb: {  	s28 =	sshrl.u32 s10, $0x1;
	s29 =	sshrl.u32 s11, $0x2;
	s8 =	sadd.s32 s7, s8  }
0xc: {  	s7 =	sadd.s32 s7, s5;
	s10 =	ssub.s32 s10, s28;
	s12 =	sadd.s32 s29, s2  }
0xd: {  	s11 =	sadd.s32 s30, s9;
	s8 =	sadd.s32 s8, s5;
	s5 =	sadd.s32 $0x40E00, s7  }
0xe: {  	s9 =	sadd.s32 $0x3E00, s11;
	s7 =	sadd.s32 $0x68E00, s8;
	s8 =	smax.u32 s10, $0x1  }
0xf: {  	s10 =	sadd.s32 $0xEE00, s11;
	s11 =	sshrl.u32 s12, $0x3;
	s12 =	simm.s32 $0x2  }
.LBB2_1:
0x10: {  	[spmem:s11], [sflag:s6] =	dma.local [hbm:s5], $0x2800  }
0x11: {  	_ =	swait.ge [sflag:s12], $0x2800  }
0x12: {  	[sflag:s12] =	ssyncset.done $0x0  }
0x13: {  	[sflag:s12] =	ssyncadd.s32 $0xFFFFD800  }
0x14: {  	s17 =	sadd.s32 $0x0, s10;
	[bflag:$0x0] =	sbarrier.arrive $0xFFFF  }
0x15: {  	[tilespmem:s3], [sflag:$0x2] =	stream.linear.gather [hbm4b:s17+s3], $0x80, $0x38;
	[tilespmem:$0x18100] =	vst v63  }
0x16: {  	_ =	swait.ge [sflag:s12], $0x80  }
0x17: {  	[sflag:s12] =	ssyncset.done $0x0  }
0x18: {  	s31 =	sadd.s32 $0x0, s9;
	[sflag:s12] =	ssyncadd.s32 $0xFFFFFF80  }
0x19: {  	[tilespmem:s13], [sflag:$0x2] =	stream.linear.gather [hbm4b:s31+s3], $0x80, $0x38;
	[tilespmem:$0x18100] =	vst v63  }
0x1a: {  	_ =	swait.ge [sflag:s12], $0x80  }
0x1b: {  	[sflag:s12] =	ssyncset.done $0x0  }
0x1c: {  	[sflag:s12] =	ssyncadd.s32 $0xFFFFFF80  }
0x1d: {  	[tilespmem:s14], [sflag:$0x1] =	stream.indirect.gather [hbm4b:s4+s13], $0x80, s3, s13, $0xb8;
	[tilespmem:$0x18100] =	vst v63  }
0x1e: {  	_ =	swait.ge [sflag:s15], $0x4000  }
0x1f: {  	[sflag:s15] =	ssyncset.done $0x0  }
0x20: {  	[sflag:s15] =	ssyncadd.s32 $0xFFFFC000  }
0x21: {  	[spmem:s2] =	stream.indirect.scatter.add.f32 [tilespmem:s14], [sflag:$0x2], $0x80, s13, s13, $0xb8;
	[tilespmem:$0x18100] =	vst v63  }
0x22: {  	_ =	swait.ge [sflag:s12], $0x4000  }
0x23: {  	s18 =	simm.s32 $0x20;
	s17 =	simm.s32 $0x10;
	[sflag:s12] =	ssyncset.done $0x0  }
.LBB2_2:
0x24: {  	s19 =	sadd.s32 s17, s10  }
0x25: {  	[sflag:s12] =	ssyncadd.s32 $0xFFFFC000;
	s20 =	smov.u32 s18;
	s21 =	sadd.s32 $0x10, s18  }
0x26: {  	[tilespmem:s3], [sflag:$0x2] =	stream.linear.gather [hbm4b:s19+s3], $0x80, $0x38;
	[tilespmem:$0x18100] =	vst v63  }
0x27: {  	p0 =	sne.s32 s18, $0x4F0;
	_ =	swait.ge [sflag:s12], $0x80  }
0x28: {  	[sflag:s12] =	ssyncset.done $0x0  }
0x29: {  	s18 =	sadd.s32 s17, s9;
	s17 =	smov.u32 s20;
	[sflag:s12] =	ssyncadd.s32 $0xFFFFFF80  }
0x2a: {  	[tilespmem:s13], [sflag:$0x2] =	stream.linear.gather [hbm4b:s18+s3], $0x80, $0x38;
	[tilespmem:$0x18100] =	vst v63  }
0x2b: {  	_ =	swait.ge [sflag:s12], $0x80  }
0x2c: {  	[sflag:s12] =	ssyncset.done $0x0  }
0x2d: {  	[sflag:s12] =	ssyncadd.s32 $0xFFFFFF80  }
0x2e: {  	[tilespmem:s14], [sflag:$0x1] =	stream.indirect.gather [hbm4b:s4+s13], $0x80, s3, s13, $0xb8;
	[tilespmem:$0x18100] =	vst v63  }
0x2f: {  	_ =	swait.ge [sflag:s15], $0x4000  }
.Ltmp0:
0x30: {  	[sflag:s15] =	ssyncset.done $0x0;
	(pc) =	sbr.rel @p0 .LBB2_2-.Ltmp0, $4  }
0x31: {  	[sflag:s15] =	ssyncadd.s32 $0xFFFFC000  }
0x32: {  	[spmem:s2] =	stream.indirect.scatter.add.f32 [tilespmem:s14], [sflag:$0x2], $0x80, s13, s13, $0xb8;
	[tilespmem:$0x18100] =	vst v63  }
0x33: {  	_ =	swait.ge [sflag:s12], $0x4000  }
0x34: {  	s18 =	smov.u32 s21;
	[sflag:s12] =	ssyncset.done $0x0  }
0x35: {  	s18 =	sadd.s32 s17, s10;
	[sflag:s12] =	ssyncadd.s32 $0xFFFFC000  }
0x36: {  	[tilespmem:s3], [sflag:$0x2] =	stream.linear.gather [hbm4b:s18+s3], $0x80, $0x38;
	[tilespmem:$0x18100] =	vst v63  }
0x37: {  	_ =	swait.ge [sflag:s12], $0x80  }
0x38: {  	[sflag:s12] =	ssyncset.done $0x0  }
0x39: {  	s31 =	sadd.s32 s17, s9;
	[sflag:s12] =	ssyncadd.s32 $0xFFFFFF80  }
0x3a: {  	[tilespmem:s13], [sflag:$0x2] =	stream.linear.gather [hbm4b:s31+s3], $0x80, $0x38;
	[tilespmem:$0x18100] =	vst v63  }
0x3b: {  	_ =	swait.ge [sflag:s12], $0x80  }
0x3c: {  	[sflag:s12] =	ssyncset.done $0x0  }
0x3d: {  	[sflag:s12] =	ssyncadd.s32 $0xFFFFFF80  }
0x3e: {  	[tilespmem:s14], [sflag:$0x1] =	stream.indirect.gather [hbm4b:s4+s13], $0x80, s3, s13, $0xb8;
	[tilespmem:$0x18100] =	vst v63  }
0x3f: {  	_ =	swait.ge [sflag:s15], $0x4000  }
0x40: {  	[sflag:s15] =	ssyncset.done $0x0  }
0x41: {  	[sflag:s15] =	ssyncadd.s32 $0xFFFFC000  }
0x42: {  	[spmem:s2] =	stream.indirect.scatter.add.f32 [tilespmem:s14], [sflag:$0x2], $0x80, s13, s13, $0xb8;
	[tilespmem:$0x18100] =	vst v63  }
0x43: {  	_ =	swait.ge [sflag:s12], $0x4000  }
0x44: {  	s16 =	sadd.s32 $0x1, s16;
	[sflag:s12] =	ssyncset.done $0x0  }
0x45: {  	p0 =	sne.s32 s16, s8;
	[sflag:s12] =	ssyncadd.s32 $0xFFFFC000  }
.Ltmp1:
0x46: {  	[bflag:$0x0] =	sbarrier.arrive $0xFFFF;
	(pc) =	sbr.rel @p0 .LBB2_1-.Ltmp1, $4  }
0x47: {  	[hbm:s7], [sflag:s6] =	dma.local [spmem:s11], $0x2800  }
0x48: {  	_ =	swait.ge [sflag:s12], $0x2800  }
0x49: {  	[sflag:s12] =	ssyncset.done $0x0  }
0x4a: {  	[sflag:s12] =	ssyncadd.s32 $0xFFFFD800  }
0x4b: {  	_ =	sfence.sel $0x180000  }
0x4c: {  	[bflag:$0x0] =	sbarrier.arrive $0xFFFF  }
0x4d: {  	p0 =	sne.s32 s1, $0x0;
	_ =	strace $0x90000050  }
0x4e: {  	s0 =	sadd.s32 @!p0 $0x100000, s0;
	[bflag:$0x2] =	sbarrier.arrive $0xFFFF  }
0x4f: {  	[sflag:s0] =	ssyncadd.tile.s32 @!p0 $0x1;
	_ =	shalt  }
.Lfunc_end2:
_tile_overlayer_lowered:
.L_overlay_start_2:
0x50: {  	(tag) =	ssettag $0x2  }
0x51: {  	s0 =	rddreg [dreg:$0x0];
	s2 =	stileid.u32  }
0x52: {  	s1 =	rddreg [dreg:$0x1];
	p0 =	sne.s32 s2, $0x0  }
0x53: {  	s3 =	rddreg [dreg:$0x2];
	[bflag:$0x3] =	sbarrier.arrive $0xFFFF;
	s2 =	simm.s32 @!p0 $0x1C02  }
0x54: {  	[timem:s3], [sflag:s2] =	dma.local @!p0 [hbm:s0], s1  }
0x55: {  	s0 =	simm.s32 @!p0 $0x2  }
0x56: {  	_ =	swait.ge @!p0 [sflag:s0], s1  }
0x57: {  	s1 =	ssub.s32 @!p0 $0x0, s1;
	[sflag:s0] =	ssyncset.done @!p0 $0x0  }
0x58: {  	[sflag:s0] =	ssyncadd.s32 @!p0 s1  }
0x59: {  	[bflag:$0x3] =	sbarrier.arrive $0xFFFF  }
0x5a: {  	_ =	shalt  }

// kernel: kernel.24.cloned.1.call-start
scs
__scs_entry_jumppad:
0x0: {  	(pc) =	sbr.rel $0x88, $3  }
0x1: {  	(tag) =	ssettag $0x0;
	lr =	simm.s32 $0x1  }
0x2: {  	[smem:$0x3F93] =	sst lr;
	_ =	strace $0xD0000000  }
0x3: {  	_ = 	snop  }
0x4: {  	_ = 	snop  }
0x5: {  	_ = 	snop  }
0x6: {  	_ = 	snop  }
0x7: {  	_ = 	snop  }
__scs_overlays_trampoline_lowered:
0x8: {  	[smem:$0x3FA2] =	sst s0  }
0x9: {  	[smem:$0x3FA3] =	sst s1  }
0xa: {  	[smem:$0x3FA4] =	sst s2  }
0xb: {  	[smem:$0x3FA5] =	sst s3  }
0xc: {  	[smem:$0x3FA6] =	sst s4  }
0xd: {  	[smem:$0x3FA7] =	sst s5  }
0xe: {  	[smem:$0x3FA8] =	sst s6  }
0xf: {  	[smem:$0x3FA9] =	sst s7  }
0x10: {  	[smem:$0x3FAA] =	sst s8  }
0x11: {  	[smem:$0x3FAB] =	sst s9;
	s0 =	simm.s32 @!p0 $0x0  }
0x12: {  	s1 =	sld [smem:$0x3F91];
	s0 =	simm.s32 @p0 $0x1  }
0x13: {  	[smem:$0x3FAC] =	sst s0;
	s0 =	simm.s32 @!p1 $0x0  }
0x14: {  	s2 =	sld [smem:$0x3F90];
	s0 =	simm.s32 @p1 $0x1  }
0x15: {  	[smem:$0x3FAD] =	sst s0;
	s0 =	simm.s32 @!p2 $0x0  }
0x16: {  	s3 =	sld [smem:$0x3FDB];
	s0 =	simm.s32 @p2 $0x1  }
0x17: {  	s4 =	simm.s32 $0x1BF5;
	[smem:$0x3FAF] =	sst s0  }
0x18: {  	s0 =	sld [smem:$0x3F92];
	_ =	swait.ge [sflag:s4], $0x0  }
0x19: {  	s7 =	sld [smem:$0x3F93]  }
0x1a: {  	s8 =	sadd.s32 $0xFFFFE003, lr  }
0x1b: {  	s9 =	sadd.s32 $0xFFFFFEF7, lr;
	s5 =	simm.s32 $0xFFFFFFFF;
	p2 =	slt.u32 s8, $0xFFFFF086  }
0x1c: {  	p1 =	slt.u32 s9, $0xF7A;
	s5 =	simm.s32 @!p2 $0x0  }
0x1d: {  	s5 =	simm.s32 @p1 $0x1;
	p0 =	seq.s32 s7, s2  }
0x1e: {  	s7 =	smul.u32 @!p0 $0xF7A, s2;
	p2 =	seq.s32 @!p0 s5, $0x0  }
0x1f: {  	s9 =	smul.u32 $0xF7A, s1;
	s8 =	simm.s32 @!p0 $0x1BF5;
	p2 =	por !p2, p0  }
0x20: {  	[sflag:s8] =	ssyncset.s32 @!p0 $0xFFFFF086;
	s6 =	sadd.s32 @!p0 s3, s7;
	s7 =	simm.s32 @!p0 $0x108  }
0x21: {  	s3 =	sadd.s32 s3, s9;
	s6 =	sadd.s32 @!p0 $0x88, s6;
	s7 =	simm.s32 @p2 $0x1082  }
0x22: {  	[simem:s7], [sflag:s8] =	dma.local @!p0 [hbm:s6], $0xF7A  }
0x23: {  	s9 =	sor.u32 $0xD0000000, s2;
	s6 =	simm.s32 $0x108;
	_ =	swait.ge @!p0 [sflag:s8], $0x0  }
0x24: {  	s3 =	sadd.s32 $0x88, s3;
	s6 =	simm.s32 @!p1 $0x1082;
	[sflag:s4] =	ssyncset.s32 $0xFFFFF086  }
0x25: {  	[simem:s6], [sflag:s4] =	dma.local [hbm:s3], $0xF7A  }
0x26: {  	[smem:$0x3F93] =	sst s1;
	(tag) =	ssettag s2;
	_ =	strace s9  }
0x27: {  	s1 =	sld [smem:$0x3FA3]  }
0x28: {  	s2 =	sld [smem:$0x3FA4]  }
0x29: {  	s4 =	sld [smem:$0x3FA6]  }
0x2a: {  	p0 =	seq.s32 s5, $0x0;
	s5 =	sld [smem:$0x3FA7]  }
0x2b: {  	s6 =	sld [smem:$0x3FA8]  }
0x2c: {  	s7 =	sld [smem:$0x3FA9]  }
0x2d: {  	s3 =	simm.s32 $0x108;
	s8 =	sld [smem:$0x3FAA]  }
0x2e: {  	s3 =	simm.s32 @!p0 $0x1082;
	s9 =	sld [smem:$0x3FAB]  }
0x2f: {  	lr =	sadd.s32 s0, s3;
	s0 =	sld [smem:$0x3FA2]  }
0x30: {  	s3 =	sld [smem:$0x3FA5]  }
0x31: {  	[smem:$0x3FAE] =	sst s10  }
0x32: {  	s10 =	sld [smem:$0x3FAC];
	_ =	sdelay $0x3  }
0x33: {  	p0 =	seq.s32 s10, $0x1;
	s10 =	sld [smem:$0x3FAE];
	_ =	sdelay $0x3  }
0x34: {  	[smem:$0x3FAE] =	sst s10  }
0x35: {  	s10 =	sld [smem:$0x3FAD];
	_ =	sdelay $0x3  }
0x36: {  	p1 =	seq.s32 s10, $0x1;
	s10 =	sld [smem:$0x3FAE];
	_ =	sdelay $0x3  }
0x37: {  	[smem:$0x3FAE] =	sst s10  }
0x38: {  	s10 =	sld [smem:$0x3FAF]  }
0x39: {  	_ = 	snop;
	(pc) =	sbr.ind lr, $3  }
0x3a: {  	_ = 	snop  }
0x3b: {  	_ = 	snop  }
0x3c: {  	p2 =	seq.s32 s10, $0x1;
	s10 =	sld [smem:$0x3FAE]  }
0x3d: {  	_ =	shalt  }
0x3e: {  	_ =	shalt  }
0x3f: {  	_ =	shalt  }
0x40: {  	_ =	shalt  }
0x41: {  	_ =	shalt  }
0x42: {  	_ =	shalt  }
0x43: {  	_ =	shalt  }
0x44: {  	_ =	shalt  }
0x45: {  	_ =	shalt  }
0x46: {  	_ =	shalt  }
0x47: {  	_ =	shalt  }
0x48: {  	_ =	shalt  }
0x49: {  	_ =	shalt  }
0x4a: {  	_ =	shalt  }
0x4b: {  	_ =	shalt  }
0x4c: {  	_ =	shalt  }
0x4d: {  	_ =	shalt  }
0x4e: {  	_ =	shalt  }
0x4f: {  	_ =	shalt  }
0x50: {  	_ =	shalt  }
0x51: {  	_ =	shalt  }
0x52: {  	_ =	shalt  }
0x53: {  	_ =	shalt  }
0x54: {  	_ =	shalt  }
0x55: {  	_ =	shalt  }
0x56: {  	_ =	shalt  }
0x57: {  	_ =	shalt  }
0x58: {  	_ =	shalt  }
0x59: {  	_ =	shalt  }
0x5a: {  	_ =	shalt  }
0x5b: {  	_ =	shalt  }
0x5c: {  	_ =	shalt  }
0x5d: {  	_ =	shalt  }
0x5e: {  	_ =	shalt  }
0x5f: {  	_ =	shalt  }
0x60: {  	_ =	shalt  }
0x61: {  	_ =	shalt  }
0x62: {  	_ =	shalt  }
0x63: {  	_ =	shalt  }
0x64: {  	_ =	shalt  }
0x65: {  	_ =	shalt  }
0x66: {  	_ =	shalt  }
0x67: {  	_ =	shalt  }
0x68: {  	_ =	shalt  }
0x69: {  	_ =	shalt  }
0x6a: {  	_ =	shalt  }
0x6b: {  	_ =	shalt  }
0x6c: {  	_ =	shalt  }
0x6d: {  	_ =	shalt  }
0x6e: {  	_ =	shalt  }
0x6f: {  	_ =	shalt  }
0x70: {  	_ =	shalt  }
0x71: {  	_ =	shalt  }
0x72: {  	_ =	shalt  }
0x73: {  	_ =	shalt  }
0x74: {  	_ =	shalt  }
0x75: {  	_ =	shalt  }
0x76: {  	_ =	shalt  }
0x77: {  	_ =	shalt  }
0x78: {  	_ =	shalt  }
0x79: {  	_ =	shalt  }
0x7a: {  	_ =	shalt  }
0x7b: {  	_ =	shalt  }
0x7c: {  	_ =	shalt  }
0x7d: {  	_ =	shalt  }
0x7e: {  	_ =	shalt  }
0x7f: {  	_ =	shalt  }
0x80: {  	_ =	shalt  }
0x81: {  	_ =	shalt  }
0x82: {  	_ =	shalt  }
0x83: {  	_ =	shalt  }
0x84: {  	_ =	shalt  }
0x85: {  	_ =	shalt  }
0x86: {  	_ =	shalt  }
0x87: {  	_ =	shalt  }
.Lfunc_end0:
.L_simem_size_0:
called_computation.4_lowered:
.L_overlay_start_0:
0x88: {  	s2 =	sld [smem:$0x3FD9]  }
0x89: {  	s3 =	sld [smem:$0x3FFE];
	_ =	sdelay $0x1  }
0x8a: {  	s1 =	srdreg.scid  }
0x8b: {  	s0 =	sand.u32 $0x1, s1  }
0x8c: {  	s16 =	sshll.u32 s0, $0xA;
	s2 =	sadd.s32 s3, s2  }
0x8d: {  	s2 =	sadd.s32 s2, s16  }
0x8e: {  	[smem:$0x3FBA] =	sst s2  }
0x8f: {  	_ = 	snop  }
0x90: {  	(tm) =	ssettm $0x1  }
0x91: {  	s17 =	sld [smem:$0x3FFB];
	_ =	sdelay $0x3  }
0x92: {  	_ =	strace s17  }
0x93: {  	s2 =	sld [smem:$0x3FFC];
	_ =	sdelay $0x3  }
0x94: {  	_ =	strace s2  }
0x95: {  	s2 =	sld [smem:$0x3FFD];
	_ =	sdelay $0x3  }
0x96: {  	_ =	strace s2  }
0x97: {  	_ =	strace $0x8FFFFFFF  }
0x98: {  	s18 =	sld [smem:$0x3FDB];
	_ =	sdelay $0x1  }
0x99: {  	s19 =	simm.s32 $_scs_section_size  }
0x9a: {  	s4 =	simm.s32 $_size__tile_overlayer_lowered;
	s5 =	simm.s32 $_tile_overlayer_lowered  }
0x9b: {  	s22 =	simm.s32 $0x1BFF;
	s21 =	sshll.u32 s5, $0x1;
	s2 =	sadd.s32 s19, s18  }
0x9c: {  	s6 =	simm.s32 $0x0;
	s20 =	sshll.u32 s4, $0x1;
	s4 =	sadd.s32 s21, s2  }
0x9d: {  	[timem:s6], [sflag:s22] =	dma.local [hbm:s4], s20  }
0x9e: {  	_ =	swait.ge [sflag:s22], s20  }
0x9f: {  	s3 =	ssub.s32 $0x0, s20;
	[sflag:s22] =	ssyncset.done $0x0  }
0xa0: {  	[sflag:s22] =	ssyncadd.s32 s3;
	_ =	sdelay $0x1  }
0xa1: {  	s23 =	simm.s32 $0x1B8B  }
0xa2: {  	_ =	swait.ge [sflag:s23], $0x1  }
0xa3: {  	[sflag:s23] =	ssyncset.done $0x0  }
0xa4: {  	s25 =	simm.s32 $0x1B8E;
	s24 =	sld [smem:$0x3FFE];
	[sflag:s23] =	ssyncadd.s32 $0xFFFFFFFF  }
0xa5: {  	s26 =	simm.s32 $execute0_lowered;
	[smem:$0x3FD2] =	sst s25  }
0xa6: {  	s4 =	sshll.u32 s26, $0x1;
	_ =	strace $0x80000052;
	[dreg:$0x1] =	wrdreg $0xFFFFFFFF  }
0xa7: {  	s28 =	simm.s32 $_size_execute0_lowered;
	s2 =	sadd.s32 s2, s4;
	[dreg:$0x0] =	wrdreg $0x0  }
0xa8: {  	s4 =	sshll.u32 s28, $0x1;
	[dreg:$0x2] =	wrdreg s2  }
0xa9: {  	[dreg:$0x3] =	wrdreg s4  }
0xaa: {  	[dreg:$0x4] =	wrdreg $0xC0  }
0xab: {  	_ =	task [dreg:s6], $0x5FFFF  }
0xac: {  	[dreg:$0x1] =	wrdreg $0xFFFFFFFF  }
0xad: {  	[dreg:$0x0] =	wrdreg $0x60  }
0xae: {  	[dreg:$0x2] =	wrdreg s24  }
0xaf: {  	[dreg:$0x3] =	wrdreg $0x29800  }
0xb0: {  	[dreg:$0x4] =	wrdreg $0x2C000  }
0xb1: {  	[dreg:$0x5] =	wrdreg $0x9  }
0xb2: {  	_ =	task.clear_ibuf [dreg:s6], $0x6FFFF;
	_ =	strace $0x90000052  }
0xb3: {  	s29 =	simm.s32 $0x9;
	_ =	strace $0x80000054  }
0xb4: {  	_ =	swait.ge [sflag:s29], $0x1  }
0xb5: {  	[sflag:s29] =	ssyncadd.s32 $0xFFFFFFFF  }
0xb6: {  	_ =	strace $0x90000054  }
0xb7: {  	_ =	sfence  }
0xb8: {  	s30 =	sld [smem:$0x0];
	_ =	sdelay $0x2  }
0xb9: {  	s31 =	sshll.u32 s1, $0xD;
	s1 =	sshrl.u32 s1, $0x2  }
0xba: {  	s3 =	sand.u32 $0x4000, s31;
	s1 =	sadd.s32 s1, s30  }
0xbb: {  	s0 =	sor.u32 s3, s0;
	s1 =	sshll.u32 s1, $0x11  }
0xbc: {  	s0 =	sor.u32 s1, s0  }
0xbd: {  	s0 =	sadd.s32 $0x8F2B, s0  }
0xbe: {  	[sflag:s0] =	ssyncadd.remote.s32 $0x1  }
0xbf: {  	_ =	sfence.sel $0xFFFF  }
0xc0: {  	[dreg:$0x0] =	wrdreg $0xFFFFFFFF;
	(pc) =	sbr.abs _section_cstart, $3  }
0xc1: {  	[dreg:$0x1] =	wrdreg $0xFFFFFFFF  }
0xc2: {  	_ =	task.clear_ibuf [dreg:s6], $0x2FFFF;
	_ =	strace $0x9FFFFFFF  }
0xc3: {  	(tm) =	ssettm $0x7FFFFFFF  }
tec
execute0_lowered:
.L_overlay_start_1:
0x0: {  	(tag) =	ssettag $0x1  }
0x1: {  	s23 =	rddreg [dreg:$0x0]  }
0x2: {  	s2 =	rddreg [dreg:$0x1]  }
0x3: {  	s3 =	rddreg [dreg:$0x2]  }
0x4: {  	s0 =	rddreg [dreg:$0x3];
	s4 =	simm.s32 $0x0;
	s5 =	srdreg.scid  }
0x5: {  	s1 =	stileid.u32;
	v0 =	vimm.f32 $1.000000000e+00;
	[smem:$0x7FF] =	sst s4  }
0x6: {  	s24 =	sand.u32 $0x1, s5;
	s25 =	sshll.u32 s1, $0x1;
	_ =	strace $0x80000053;
	[tilespmem:$0x2930] =	vst v0  }
0x7: {  	s26 =	sshll.u32 s1, $0x7;
	p0 =	sgt.u32 s1, $0x9;
	s9 =	sor.u32 s24, s25;
	[tilespmem:$0x2920] =	vst v0  }
0x8: {  	s25 =	sshll.u32 s1, $0xA;
	s5 =	sadd.s32 s26, s23;
	[tilespmem:$0x2900] =	vst v0;
	p2 =	sne.s32 @!p0 s1, $0x0  }
0x9: {  	s6 =	sshll.u32 @!p0 s1, $0x6;
	[tilespmem:$0x2940] =	vst v0;
	s8 =	simm.s32 @!p0 $0x2;
	s7 =	sadd.s32 s25, s2  }
0xa: {  	[tilespmem:$0x2910] =	vst v0;
	s5 =	sadd.s32 $0x40E00, s5;
	s6 =	sor.u32 @!p0 $0x1C02, s6;
	s7 =	sshrl.u32 @!p0 s7, $0x3  }
0xb: {  	[spmem:s7], [sflag:s6] =	dma.local @!p0 [hbm:s5], $0x80  }
0xc: {  	s13 =	smul.u32 $0xA0, s9;
	p1 =	por p2, p0;
	_ =	swait.ge @!p0 [sflag:s8], $0x80  }
0xd: {  	s9 =	sadd.s32 $0xDE00, s23;
	s10 =	sshrl.u32 @!p1 s3, $0x3;
	[sflag:s8] =	ssyncset.done @!p0 $0x0  }
0xe: {  	s11 =	simm.s32 @!p1 $0x1C02;
	s12 =	simm.s32 @!p1 $0x2;
	[sflag:s8] =	ssyncadd.s32 @!p0 $0xFFFFFF80  }
0xf: {  	[spmem:s10], [sflag:s11] =	dma.local @!p1 [hbm:s9], $0x10  }
0x10: {  	_ =	swait.ge @!p1 [sflag:s12], $0x10  }
0x11: {  	s13 =	sshrl.u32 s13, $0x3;
	[sflag:s12] =	ssyncset.done @!p1 $0x0  }
0x12: {  	s22 =	sadd.s32 s13, s23;
	[sflag:s12] =	ssyncadd.s32 @!p1 $0xFFFFFFF0  }
0x13: {  	s14 =	simm.s32 $0x2;
	s13 =	sadd.s32 $0xE400, s22;
	[bflag:$0x0] =	sbarrier.arrive $0xFFFF  }
0x14: {  	[tilespmem:s4], [sflag:$0x2] =	stream.linear.gather [hbm4b:s13+s4], $0x50, $0x38;
	[tilespmem:$0x2C08] =	vst v63  }
0x15: {  	_ =	swait.ge [sflag:s14], $0x50  }
0x16: {  	s16 =	simm.s32 $0x50;
	s17 =	simm.s32 $0x80;
	[sflag:s14] =	ssyncset.done $0x0  }
0x17: {  	s18 =	simm.s32 $0x1;
	s15 =	sadd.s32 $0xE800, s23;
	[sflag:s14] =	ssyncadd.s32 $0xFFFFFFB0  }
0x18: {  	[tilespmem:s17], [sflag:$0x1] =	stream.indirect.gather [hbm4b:s15+s16], $0x1, s4, s16, $0xb8;
	[tilespmem:$0x2C08] =	vst v63  }
0x19: {  	_ =	swait.ge [sflag:s18], $0x50  }
0x1a: {  	[sflag:s18] =	ssyncset.done $0x0  }
0x1b: {  	s20 =	simm.s32 $0x100;
	s19 =	sadd.s32 $0xEE00, s23;
	[sflag:s18] =	ssyncadd.s32 $0xFFFFFFB0  }
0x1c: {  	[tilespmem:s20], [sflag:$0x1] =	stream.indirect.gather [hbm4b:s19+s16], $0x80, s4, s16, $0xb8;
	[tilespmem:$0x2C08] =	vst v63  }
0x1d: {  	_ =	swait.ge [sflag:s18], $0x2800  }
0x1e: {  	[sflag:s18] =	ssyncset.done $0x0  }
0x1f: {  	[sflag:s18] =	ssyncadd.s32 $0xFFFFD800  }
0x20: {  	[spmem:s2] =	stream.indirect.scatter.add.f32 [tilespmem:s20], [sflag:$0x2], $0x80, s17, s16, $0xb8;
	[tilespmem:$0x2C08] =	vst v63  }
0x21: {  	_ =	swait.ge [sflag:s14], $0x2800  }
0x22: {  	[sflag:s14] =	ssyncset.done $0x0  }
0x23: {  	s21 =	simm.s32 $0x2900;
	[sflag:s14] =	ssyncadd.s32 $0xFFFFD800  }
0x24: {  	[spmem:s3] =	stream.indirect.scatter.add.f32 [tilespmem:s21], [sflag:$0x2], $0x1, s17, s16, $0xb8;
	[tilespmem:$0x2C08] =	vst v63  }
0x25: {  	_ =	swait.ge [sflag:s14], $0x50  }
0x26: {  	[sflag:s14] =	ssyncset.done $0x0  }
0x27: {  	s22 =	sadd.s32 $0xE40A, s22;
	[sflag:s14] =	ssyncadd.s32 $0xFFFFFFB0  }
0x28: {  	[tilespmem:s4], [sflag:$0x2] =	stream.linear.gather [hbm4b:s22+s4], $0x50, $0x38;
	[tilespmem:$0x2C08] =	vst v63  }
0x29: {  	_ =	swait.ge [sflag:s14], $0x50  }
0x2a: {  	[sflag:s14] =	ssyncset.done $0x0  }
0x2b: {  	[sflag:s14] =	ssyncadd.s32 $0xFFFFFFB0  }
0x2c: {  	[tilespmem:s17], [sflag:$0x1] =	stream.indirect.gather [hbm4b:s15+s16], $0x1, s4, s16, $0xb8;
	[tilespmem:$0x2C08] =	vst v63  }
0x2d: {  	_ =	swait.ge [sflag:s18], $0x50  }
0x2e: {  	[sflag:s18] =	ssyncset.done $0x0  }
0x2f: {  	[sflag:s18] =	ssyncadd.s32 $0xFFFFFFB0  }
0x30: {  	[tilespmem:s20], [sflag:$0x1] =	stream.indirect.gather [hbm4b:s19+s16], $0x80, s4, s16, $0xb8;
	[tilespmem:$0x2C08] =	vst v63  }
0x31: {  	s26 =	smul.u32 $0x2800, s24;
	_ =	swait.ge [sflag:s18], $0x2800  }
0x32: {  	s30 =	ssub.s32 $0x2, s24;
	s24 =	sshll.u32 s24, $0x4;
	[sflag:s18] =	ssyncset.done $0x0  }
0x33: {  	p4 =	por @!p0 $0x0, $0x0;
	s28 =	sshrl.u32 s30, $0x1;
	[sflag:s18] =	ssyncadd.s32 $0xFFFFD800  }
0x34: {  	[spmem:s2] =	stream.indirect.scatter.add.f32 [tilespmem:s20], [sflag:$0x2], $0x80, s17, s16, $0xb8;
	[tilespmem:$0x2C08] =	vst v63  }
0x35: {  	s24 =	sadd.s32 s24, s23;
	p3 =	por !p2, p0;
	_ =	swait.ge [sflag:s14], $0x2800  }
0x36: {  	p2 =	por $0x0, $0x0;
	s25 =	sadd.s32 s26, s25;
	[sflag:s14] =	ssyncset.done $0x0  }
0x37: {  	s26 =	ssub.s32 s30, s28;
	p5 =	por @!p1 $0x1, $0x1;
	[sflag:s14] =	ssyncadd.s32 $0xFFFFD800  }
0x38: {  	[spmem:s3] =	stream.indirect.scatter.add.f32 [tilespmem:s21], [sflag:$0x2], $0x1, s17, s16, $0xb8;
	[tilespmem:$0x2C08] =	vst v63  }
0x39: {  	s24 =	sadd.s32 $0x4800, s24;
	s25 =	sshrl.u32 s25, $0x3;
	_ =	swait.ge [sflag:s14], $0x50  }
0x3a: {  	p5 =	por @!p3 p4, p4;
	s31 =	smax.u32 s26, $0x1;
	[sflag:s14] =	ssyncset.done $0x0  }
0x3b: {  	s25 =	sadd.s32 s25, s23;
	p2 =	por @!p0 p5, p5;
	[sflag:s14] =	ssyncadd.s32 $0xFFFFFFB0  }
0x3c: {  	s29 =	sadd.s32 $0xFFFFFFFF, s31;
	s23 =	sadd.s32 $0x3E00, s25;
	[bflag:$0x0] =	sbarrier.arrive $0xFFFF  }
0x3d: {  	[hbm:s23], [sflag:s6] =	dma.local @!p0 [spmem:s7], $0x80  }
0x3e: {  	s26 =	sshll.u32 @p2 s1, $0x6;
	p3 =	sne.s32 s29, $0x0;
	_ =	swait.ge @!p0 [sflag:s8], $0x80  }
.Ltmp0:
0x3f: {  	s28 =	sshrl.u32 @p2 s3, $0x3;
	[sflag:s8] =	ssyncset.done @!p0 $0x0;
	(pc) =	sbr.rel @!p3 .LBB2_2-.Ltmp0, $4  }
0x40: {  	s25 =	simm.s32 @p2 $0x2;
	s26 =	sor.u32 @p2 $0x1C02, s26;
	[sflag:s8] =	ssyncadd.s32 @!p0 $0xFFFFFF80  }
0x41: {  	[hbm:s24], [sflag:s26] =	dma.local @p2 [spmem:s28], $0x10  }
0x42: {  	_ =	swait.ge @p2 [sflag:s25], $0x10  }
0x43: {  	[sflag:s25] =	ssyncset.done @p2 $0x0  }
.LBB2_1:
0x44: {  	s29 =	sadd.s32 $0xFFFFFFFF, s29;
	[sflag:s25] =	ssyncadd.s32 @p2 $0xFFFFFFF0  }
0x45: {  	[tilespmem:$0x2930] =	vst v0;
	p3 =	sne.s32 s29, $0x0  }
0x46: {  	[tilespmem:$0x2920] =	vst v0  }
0x47: {  	[tilespmem:$0x2900] =	vst v0  }
0x48: {  	[tilespmem:$0x2940] =	vst v0  }
0x49: {  	[tilespmem:$0x2910] =	vst v0  }
0x4a: {  	[spmem:s7], [sflag:s6] =	dma.local @!p0 [hbm:s5], $0x80  }
0x4b: {  	_ =	swait.ge @!p0 [sflag:s8], $0x80  }
0x4c: {  	[sflag:s8] =	ssyncset.done @!p0 $0x0  }
0x4d: {  	[sflag:s8] =	ssyncadd.s32 @!p0 $0xFFFFFF80  }
0x4e: {  	[spmem:s10], [sflag:s11] =	dma.local @!p1 [hbm:s9], $0x10  }
0x4f: {  	_ =	swait.ge @!p1 [sflag:s12], $0x10  }
0x50: {  	[sflag:s12] =	ssyncset.done @!p1 $0x0  }
0x51: {  	[sflag:s12] =	ssyncadd.s32 @!p1 $0xFFFFFFF0  }
0x52: {  	[bflag:$0x0] =	sbarrier.arrive $0xFFFF  }
0x53: {  	[tilespmem:s4], [sflag:$0x2] =	stream.linear.gather [hbm4b:s13+s4], $0x50, $0x38;
	[tilespmem:$0x2C08] =	vst v63  }
0x54: {  	_ =	swait.ge [sflag:s14], $0x50  }
0x55: {  	[sflag:s14] =	ssyncset.done $0x0  }
0x56: {  	[sflag:s14] =	ssyncadd.s32 $0xFFFFFFB0  }
0x57: {  	[tilespmem:s17], [sflag:$0x1] =	stream.indirect.gather [hbm4b:s15+s16], $0x1, s4, s16, $0xb8;
	[tilespmem:$0x2C08] =	vst v63  }
0x58: {  	_ =	swait.ge [sflag:s18], $0x50  }
0x59: {  	[sflag:s18] =	ssyncset.done $0x0  }
0x5a: {  	[sflag:s18] =	ssyncadd.s32 $0xFFFFFFB0  }
0x5b: {  	[tilespmem:s20], [sflag:$0x1] =	stream.indirect.gather [hbm4b:s19+s16], $0x80, s4, s16, $0xb8;
	[tilespmem:$0x2C08] =	vst v63  }
0x5c: {  	_ =	swait.ge [sflag:s18], $0x2800  }
0x5d: {  	[sflag:s18] =	ssyncset.done $0x0  }
0x5e: {  	[sflag:s18] =	ssyncadd.s32 $0xFFFFD800  }
0x5f: {  	[spmem:s2] =	stream.indirect.scatter.add.f32 [tilespmem:s20], [sflag:$0x2], $0x80, s17, s16, $0xb8;
	[tilespmem:$0x2C08] =	vst v63  }
0x60: {  	_ =	swait.ge [sflag:s14], $0x2800  }
0x61: {  	[sflag:s14] =	ssyncset.done $0x0  }
0x62: {  	[sflag:s14] =	ssyncadd.s32 $0xFFFFD800  }
0x63: {  	[spmem:s3] =	stream.indirect.scatter.add.f32 [tilespmem:s21], [sflag:$0x2], $0x1, s17, s16, $0xb8;
	[tilespmem:$0x2C08] =	vst v63  }
0x64: {  	_ =	swait.ge [sflag:s14], $0x50  }
0x65: {  	[sflag:s14] =	ssyncset.done $0x0  }
0x66: {  	[sflag:s14] =	ssyncadd.s32 $0xFFFFFFB0  }
0x67: {  	[tilespmem:s4], [sflag:$0x2] =	stream.linear.gather [hbm4b:s22+s4], $0x50, $0x38;
	[tilespmem:$0x2C08] =	vst v63  }
0x68: {  	_ =	swait.ge [sflag:s14], $0x50  }
0x69: {  	[sflag:s14] =	ssyncset.done $0x0  }
0x6a: {  	[sflag:s14] =	ssyncadd.s32 $0xFFFFFFB0  }
0x6b: {  	[tilespmem:s17], [sflag:$0x1] =	stream.indirect.gather [hbm4b:s15+s16], $0x1, s4, s16, $0xb8;
	[tilespmem:$0x2C08] =	vst v63  }
0x6c: {  	_ =	swait.ge [sflag:s18], $0x50  }
0x6d: {  	[sflag:s18] =	ssyncset.done $0x0  }
0x6e: {  	[sflag:s18] =	ssyncadd.s32 $0xFFFFFFB0  }
0x6f: {  	[tilespmem:s20], [sflag:$0x1] =	stream.indirect.gather [hbm4b:s19+s16], $0x80, s4, s16, $0xb8;
	[tilespmem:$0x2C08] =	vst v63  }
0x70: {  	_ =	swait.ge [sflag:s18], $0x2800  }
0x71: {  	[sflag:s18] =	ssyncset.done $0x0  }
0x72: {  	[sflag:s18] =	ssyncadd.s32 $0xFFFFD800  }
0x73: {  	[spmem:s2] =	stream.indirect.scatter.add.f32 [tilespmem:s20], [sflag:$0x2], $0x80, s17, s16, $0xb8;
	[tilespmem:$0x2C08] =	vst v63  }
0x74: {  	_ =	swait.ge [sflag:s14], $0x2800  }
0x75: {  	[sflag:s14] =	ssyncset.done $0x0  }
0x76: {  	[sflag:s14] =	ssyncadd.s32 $0xFFFFD800  }
0x77: {  	[spmem:s3] =	stream.indirect.scatter.add.f32 [tilespmem:s21], [sflag:$0x2], $0x1, s17, s16, $0xb8;
	[tilespmem:$0x2C08] =	vst v63  }
0x78: {  	_ =	swait.ge [sflag:s14], $0x50  }
0x79: {  	[sflag:s14] =	ssyncset.done $0x0  }
0x7a: {  	[sflag:s14] =	ssyncadd.s32 $0xFFFFFFB0  }
0x7b: {  	[bflag:$0x0] =	sbarrier.arrive $0xFFFF  }
0x7c: {  	[hbm:s23], [sflag:s6] =	dma.local @!p0 [spmem:s7], $0x80  }
0x7d: {  	_ =	swait.ge @!p0 [sflag:s8], $0x80  }
.Ltmp1:
0x7e: {  	[sflag:s8] =	ssyncset.done @!p0 $0x0;
	(pc) =	sbr.rel @p3 .LBB2_1-.Ltmp1, $4  }
0x7f: {  	[sflag:s8] =	ssyncadd.s32 @!p0 $0xFFFFFF80  }
0x80: {  	[hbm:s24], [sflag:s26] =	dma.local @p2 [spmem:s28], $0x10  }
0x81: {  	_ =	swait.ge @p2 [sflag:s25], $0x10  }
0x82: {  	[sflag:s25] =	ssyncset.done @p2 $0x0  }
.LBB2_2:
0x83: {  	[sflag:s25] =	ssyncadd.s32 @p2 $0xFFFFFFF0  }
0x84: {  	_ =	sfence.sel $0x180000  }
0x85: {  	[bflag:$0x0] =	sbarrier.arrive $0xFFFF  }
0x86: {  	p0 =	sne.s32 s1, $0x0;
	_ =	strace $0x90000053  }
0x87: {  	s0 =	sadd.s32 @!p0 $0x100000, s0;
	[bflag:$0x2] =	sbarrier.arrive $0xFFFF  }
0x88: {  	[sflag:s0] =	ssyncadd.tile.s32 @!p0 $0x1;
	_ =	shalt  }
.Lfunc_end2:
_tile_overlayer_lowered:
.L_overlay_start_2:
0x89: {  	(tag) =	ssettag $0x2  }
0x8a: {  	s0 =	rddreg [dreg:$0x0];
	s2 =	stileid.u32  }
0x8b: {  	s1 =	rddreg [dreg:$0x1];
	p0 =	sne.s32 s2, $0x0  }
0x8c: {  	s3 =	rddreg [dreg:$0x2];
	[bflag:$0x3] =	sbarrier.arrive $0xFFFF;
	s2 =	simm.s32 @!p0 $0x1C02  }
0x8d: {  	[timem:s3], [sflag:s2] =	dma.local @!p0 [hbm:s0], s1  }
0x8e: {  	s0 =	simm.s32 @!p0 $0x2  }
0x8f: {  	_ =	swait.ge @!p0 [sflag:s0], s1  }
0x90: {  	s1 =	ssub.s32 @!p0 $0x0, s1;
	[sflag:s0] =	ssyncset.done @!p0 $0x0  }
0x91: {  	[sflag:s0] =	ssyncadd.s32 @!p0 s1  }
0x92: {  	[bflag:$0x3] =	sbarrier.arrive $0xFFFF  }
0x93: {  	_ =	shalt  }

</sc_bundles>
